<compile_context>
chip_gen: v7x
topology: tpu7x:2x2x1
jax: 0.10.2.dev20260603
libtpu: 0.0.44.dev20260713+nightly
codegen_flags: <defaults>
</compile_context>

<pallas_src>
import jax
import jax.numpy as jnp
from jax import lax
from jax.experimental import pallas as pl
from jax.experimental.pallas import tpu as pltpu
from jax.experimental.pallas import tpu_sc as plsc

_THRESH = 0.6
_K = 100000

_B, _C, _H, _W = 8, 19, 512, 512
_N = _B * _H * _W
_BH = 128

_NS = 16
_NT = _N // _NS
_CH = 8192
_NCH = _NT // _CH
_VPC = _CH // 16
_BASE_BITS = 0x3F19999B
_CAP = 16384
_PSEG = 1024
_SENT = 0x7FFFFFFF


def _ce_stats_body(pred_ref, tgt_ref, off_ref, nll_ref, acc_ref):
    x = pred_ref[0]
    t = tgt_ref[0]
    m = jnp.max(x, axis=0)
    ch = lax.broadcasted_iota(jnp.int32, x.shape, 0)
    tl = jnp.sum(jnp.where(ch == t[None], x, 0.0), axis=0)
    s = jnp.sum(jnp.exp(x - m[None]), axis=0)
    prob = jnp.exp(tl - m) / s
    off = lax.bitcast_convert_type(prob, jnp.int32) - _BASE_BITS
    nll = jnp.log(s) + (m - tl)
    off_ref[0, 0] = off
    nll_ref[0, 0] = nll
    neg = off < 0
    cnt06 = jnp.sum(jnp.where(neg, 1.0, 0.0))
    s06 = jnp.sum(jnp.where(neg, nll, 0.0))
    sall = jnp.sum(nll)
    lanes = lax.broadcasted_iota(jnp.int32, (1, 128), 1)
    row = jnp.where(lanes == 0, cnt06,
                    jnp.where(lanes == 1, s06,
                              jnp.where(lanes == 2, sall, 0.0)))
    first = jnp.logical_and(pl.program_id(0) == 0, pl.program_id(1) == 0)
    @pl.when(first)
    def _():
        acc_ref[...] = jnp.zeros_like(acc_ref)
    acc_ref[...] = acc_ref[...] + row


def _ce_stats(pred, target):
    nw = _W // 128
    return pl.pallas_call(
        _ce_stats_body,
        grid=(_B, nw),
        in_specs=[
            pl.BlockSpec((1, _C, _H, 128), lambda b, w: (b, 0, 0, w)),
            pl.BlockSpec((1, _H, 128), lambda b, w: (b, 0, w)),
        ],
        out_specs=[
            pl.BlockSpec((1, 1, _H, 128), lambda b, w: (b, w, 0, 0)),
            pl.BlockSpec((1, 1, _H, 128), lambda b, w: (b, w, 0, 0)),
            pl.BlockSpec((1, 128), lambda b, w: (0, 0)),
        ],
        out_shape=[
            jax.ShapeDtypeStruct((_B, nw, _H, 128), jnp.int32),
            jax.ShapeDtypeStruct((_B, nw, _H, 128), jnp.float32),
            jax.ShapeDtypeStruct((1, 128), jnp.float32),
        ],
    )(pred, target)


def _sel_body(off_hbm, nll_hbm, acc_hbm, ne_hbm, out_hbm, pbuf, nbuf, pbuf1,
              nbuf1, coff, cnll, poolv, obuf, cbi, cbuf, tbuf, stage3, pc1d,
              sem0, sem1, shPool, shC, shT, shP):
    wid = lax.axis_index("s")
    base = wid * _NT
    zf = jnp.zeros((16,), jnp.float32)
    kf = jnp.float32(_K)
    lanes16 = lax.broadcasted_iota(jnp.int32, (16,), 0)

    pltpu.sync_copy(acc_hbm.at[pl.ds(0, 16)], obuf)
    accv = obuf[pl.ds(0, 16)]
    cnt06_tot = jnp.sum(jnp.where(lanes16 == 0, accv, 0.0))
    s06_tot = jnp.sum(jnp.where(lanes16 == 1, accv, 0.0))
    sall_tot = jnp.sum(jnp.where(lanes16 == 2, accv, 0.0))
    pltpu.sync_copy(ne_hbm, cbi)
    nev = cbi[pl.ds(0, 16)]
    num_epoch = jnp.sum(jnp.where(lanes16 == 0, nev, 0))
    kres = jnp.maximum(jnp.int32(_K) - cnt06_tot.astype(jnp.int32), 1)

    sentv = jnp.full((16,), _SENT, jnp.int32)
    def sfill(c, _):
        coff[pl.ds(c * 16, 16)] = sentv
        return 0
    lax.fori_loop(0, _PSEG // 16, sfill, 0)

    def _start(c, pb, nb, sem):
        pltpu.async_copy(off_hbm.at[pl.ds(base + c * _CH, _CH)], pb, sem)
        pltpu.async_copy(nll_hbm.at[pl.ds(base + c * _CH, _CH)], nb, sem)

    def _wait(c, pb, nb, sem):
        pltpu.make_async_copy(
            off_hbm.at[pl.ds(base + c * _CH, _CH)], pb, sem).wait()
        pltpu.make_async_copy(
            nll_hbm.at[pl.ds(base + c * _CH, _CH)], nb, sem).wait()

    zi16 = jnp.zeros((16,), jnp.int32)

    def _proc_chunk(pb, nb, cnt):
        def group(gi, cnt):
            gb = gi * 256
            cv = zi16
            for u in range(16):
                off = pb[pl.ds(gb + u * 16, 16)]
                cv = cv + jnp.where(off >= 0, 1, 0)
            anyc = jnp.max(cv)

            def slow(c):
                def sl(j, c_):
                    off = pb[pl.ds(gb + j * 16, 16)]
                    nl = nb[pl.ds(gb + j * 16, 16)]
                    inr = off >= 0
                    pos = jnp.minimum(c_, _CAP)
                    plsc.store_compressed(
                        coff.at[pl.ds(pos, 16)], off, mask=inr)
                    plsc.store_compressed(
                        cnll.at[pl.ds(pos, 16)], nl, mask=inr)
                    return c_ + jnp.max(
                        plsc.all_reduce_population_count(inr))
                return lax.fori_loop(0, 16, sl, c)

            return lax.cond(anyc > 0, slow, lambda c: c, cnt)
        return lax.fori_loop(0, _VPC // 16, group, cnt)

    _start(0, pbuf, nbuf, sem0)
    def hot_pair(p, cnt):
        c0 = p * 2
        _start(c0 + 1, pbuf1, nbuf1, sem1)
        _wait(c0, pbuf, nbuf, sem0)
        cnt = _proc_chunk(pbuf, nbuf, cnt)
        @pl.when(c0 + 2 < _NCH)
        def _():
            _start(c0 + 2, pbuf, nbuf, sem0)
        _wait(c0 + 1, pbuf1, nbuf1, sem1)
        return _proc_chunk(pbuf1, nbuf1, cnt)

    cnt_cand = lax.fori_loop(0, _NCH // 2, hot_pair, jnp.int32(0))

    cbi[pl.ds(0, 16)] = jnp.broadcast_to(cnt_cand, (16,))
    pltpu.sync_copy(cbi, shC.at[pl.ds(wid * 16, 16)])
    pltpu.sync_copy(coff.at[pl.ds(0, _PSEG)],
                    shPool.at[pl.ds(wid * _PSEG, _PSEG)])
    plsc.subcore_barrier()

    pltpu.sync_copy(shC, cbuf)
    def maxcnt_row(r, mx):
        return jnp.maximum(mx, jnp.max(cbuf[pl.ds(r * 16, 16)]))
    maxcnt = lax.fori_loop(0, 16, maxcnt_row, jnp.int32(0))
    pool_ok = maxcnt <= _PSEG

    @pl.when(pool_ok)
    def _():
        pltpu.sync_copy(shPool, poolv)
        def count_le(mid):
            def seg(r, tot):
                cnt_r = jnp.max(cbuf[pl.ds(r * 16, 16)])
                trips = jnp.right_shift(cnt_r + 15, 4)
                def gg(g, t):
                    off = poolv[pl.ds(r * _PSEG + g * 16, 16)]
                    m = jnp.logical_and(lanes16 < cnt_r - g * 16, off <= mid)
                    return t + jnp.max(plsc.all_reduce_population_count(m))
                return lax.fori_loop(0, trips, gg, tot)
            return lax.fori_loop(0, 16, seg, jnp.int32(0))
        def bit_step(tstep, v):
            mid = v + jnp.left_shift(jnp.int32(1), 22 - tstep) - 1
            c = count_le(mid)
            return jnp.where(c < kres, mid + 1, v)
        v = lax.fori_loop(0, 23, bit_step, jnp.int32(0))
        tbuf[pl.ds(0, 16)] = jnp.broadcast_to(v, (16,))

    @pl.when(jnp.logical_not(pool_ok))
    def _():
        @pl.when(wid == 0)
        def _():
            def count_le_stream(mid):
                def ch(ci, tot):
                    pltpu.sync_copy(off_hbm.at[pl.ds(ci * _CH, _CH)], pbuf)
                    def gg(g, t):
                        off = pbuf[pl.ds(g * 16, 16)]
                        m = jnp.logical_and(off >= 0, off <= mid)
                        return t + jnp.max(
                            plsc.all_reduce_population_count(m))
                    return lax.fori_loop(0, _VPC, gg, tot)
                return lax.fori_loop(0, _N // _CH, ch, jnp.int32(0))
            def bit_step(tstep, v):
                mid = v + jnp.left_shift(jnp.int32(1), 22 - tstep) - 1
                c = count_le_stream(mid)
                return jnp.where(c < kres, mid + 1, v)
            v = lax.fori_loop(0, 23, bit_step, jnp.int32(0))
            cbi[pl.ds(0, 16)] = jnp.broadcast_to(v, (16,))
            pltpu.sync_copy(cbi, shT)

    plsc.subcore_barrier()

    @pl.when(jnp.logical_not(pool_ok))
    def _():
        pltpu.sync_copy(shT, tbuf)

    tval_off = jnp.max(tbuf[pl.ds(0, 16)])
    thr_off_v = jnp.where(cnt06_tot >= kf,
                          jnp.broadcast_to(jnp.int32(-1), (16,)),
                          jnp.broadcast_to(tval_off, (16,)))

    overflow = cnt_cand > _CAP
    ngroups = jnp.right_shift(jnp.minimum(cnt_cand, _CAP) + 15, 4)

    @pl.when(jnp.logical_not(overflow))
    def _():
        def g(gi, carry):
            ck, sk = carry
            mask = lanes16 < (cnt_cand - gi * 16)
            off = coff[pl.ds(gi * 16, 16)]
            nl = cnll[pl.ds(gi * 16, 16)]
            kept = jnp.logical_and(mask, off <= thr_off_v)
            return (ck + jnp.where(kept, 1.0, 0.0),
                    sk + jnp.where(kept, nl, 0.0))
        ck, sk = lax.fori_loop(0, ngroups, g, (zf, zf))
        stage3[pl.ds(0, 16)] = ck
        stage3[pl.ds(16, 16)] = sk

    @pl.when(overflow)
    def _():
        def ch_(c, carry):
            pltpu.sync_copy(off_hbm.at[pl.ds(base + c * _CH, _CH)], pbuf)
            pltpu.sync_copy(nll_hbm.at[pl.ds(base + c * _CH, _CH)], nbuf)
            def inner(i, carry):
                ck, sk = carry
                off = pbuf[pl.ds(i * 16, 16)]
                nl = nbuf[pl.ds(i * 16, 16)]
                kept = jnp.logical_and(off >= 0, off <= thr_off_v)
                return (ck + jnp.where(kept, 1.0, 0.0),
                        sk + jnp.where(kept, nl, 0.0))
            return lax.fori_loop(0, _VPC, inner, carry)
        ck, sk = lax.fori_loop(0, _NCH, ch_, (zf, zf))
        stage3[pl.ds(0, 16)] = ck
        stage3[pl.ds(16, 16)] = sk

    pltpu.sync_copy(stage3, shP.at[pl.ds(wid * 48, 48)])
    plsc.subcore_barrier()

    @pl.when(wid == 0)
    def _():
        pltpu.sync_copy(shP, pc1d)
        def rr(r, carry):
            ckt, skt = carry
            return (ckt + pc1d[pl.ds(r * 48, 16)],
                    skt + pc1d[pl.ds(r * 48 + 16, 16)])
        ckt, skt = lax.fori_loop(0, 16, rr, (zf, zf))
        nll_kept = jnp.broadcast_to(s06_tot + jnp.sum(skt), (16,))
        cnt_kept = jnp.broadcast_to(cnt06_tot + jnp.sum(ckt), (16,))
        loss_ohem = nll_kept / jnp.maximum(cnt_kept, 1.0)
        loss_all = jnp.broadcast_to(sall_tot * jnp.float32(1.0 / _N), (16,))
        loss = jnp.where(num_epoch > 0, loss_ohem, loss_all)
        obuf[pl.ds(0, 16)] = loss
        pltpu.sync_copy(obuf, out_hbm)


def _select(offf, nllf, accf, nef):
    mesh = plsc.VectorSubcoreMesh(
        core_axis_name="c", subcore_axis_name="s", num_cores=1)
    f = pl.kernel(
        _sel_body,
        out_type=jax.ShapeDtypeStruct((16,), jnp.float32),
        mesh=mesh,
        compiler_params=pltpu.CompilerParams(needs_layout_passes=False),
        scratch_types=[
            pltpu.VMEM((_CH,), jnp.int32),
            pltpu.VMEM((_CH,), jnp.float32),
            pltpu.VMEM((_CH,), jnp.int32),
            pltpu.VMEM((_CH,), jnp.float32),
            pltpu.VMEM((_CAP + 16,), jnp.int32),
            pltpu.VMEM((_CAP + 16,), jnp.float32),
            pltpu.VMEM((_NS * _PSEG,), jnp.int32),
            pltpu.VMEM((16,), jnp.float32),
            pltpu.VMEM((16,), jnp.int32),
            pltpu.VMEM((256,), jnp.int32),
            pltpu.VMEM((16,), jnp.int32),
            pltpu.VMEM((48,), jnp.float32),
            pltpu.VMEM((768,), jnp.float32),
            pltpu.SemaphoreType.DMA,
            pltpu.SemaphoreType.DMA,
            pltpu.VMEM_SHARED((_NS * _PSEG,), jnp.int32),
            pltpu.VMEM_SHARED((256,), jnp.int32),
            pltpu.VMEM_SHARED((16,), jnp.int32),
            pltpu.VMEM_SHARED((768,), jnp.float32),
        ],
    )
    return f(offf, nllf, accf, nef)


def kernel(pred, target, num_epoch):
    off, nll, acc = _ce_stats(pred, target)
    ne = jnp.full((16,), 0, jnp.int32) + jnp.asarray(num_epoch, jnp.int32)
    o = _select(off.reshape(_N), nll.reshape(_N), acc.reshape(128), ne)
    return o[0]

# --- scband reference (transcript-rebuilt; emitter-appended) ---
"""Pipeline reference for scband-piecewise-prob-ohem-cross-entropy2d-4114578669601 (READ-ONLY COPY).

The authoritative reference and input builder live on the scoring server;
editing this copy changes nothing except your own understanding.
"""

import jax, jax.numpy as jnp
import numpy as np

IGNORE_LABEL = 255
THRESH = 0.6
MIN_KEPT = 100000
EPOCH_THRESH = 0


def setup_inputs(seed: int = 0) -> dict:
    key = jax.random.key(seed)
    k1, k2 = jax.random.split(key)
    pred = jax.random.normal(k1, (8, 19, 512, 512), dtype=jnp.float32)
    target = jax.random.randint(k2, (8, 512, 512), 0, 19).astype(jnp.int32)
    return {"pred": pred, "target": target, "num_epoch": 10}


def reference(pred, target, num_epoch):
    b, c, h, w = pred.shape
    tgt = target.reshape(-1)
    valid_mask = tgt != IGNORE_LABEL
    tgt = tgt * valid_mask.astype(tgt.dtype)
    prob = jax.nn.softmax(pred, axis=1)
    prob = jnp.transpose(prob, (1, 0, 2, 3)).reshape(c, -1)
    # masked_fill_: invalid pixels get prob 1 across all channels
    prob = jnp.where(valid_mask[None, :], prob, 1.0)
    n = tgt.shape[0]
    mask_prob = prob[tgt, jnp.arange(n)]
    index = jnp.argsort(mask_prob)
    kk = min(n, MIN_KEPT)
    threshold_index = index[kk - 1]
    tval = mask_prob[threshold_index]
    threshold = jnp.where(tval > THRESH, tval, THRESH)
    kept_mask = mask_prob <= threshold
    tgt_ohem = tgt * kept_mask.astype(tgt.dtype)
    valid_mask_ohem = valid_mask & kept_mask
    tgt_ohem = jnp.where(valid_mask_ohem, tgt_ohem, IGNORE_LABEL)
    tgt = jnp.where(num_epoch > EPOCH_THRESH, tgt_ohem, tgt)
    tgt = tgt.reshape(b, h, w)
    # CrossEntropyLoss(reduction='mean', ignore_index=IGNORE_LABEL)
    logp = jax.nn.log_softmax(pred, axis=1)
    lp = jnp.transpose(logp, (0, 2, 3, 1)).reshape(-1, c)
    tflat = tgt.reshape(-1)
    vmask = tflat != IGNORE_LABEL
    safe_t = jnp.where(vmask, tflat, 0)
    nll = -jnp.take_along_axis(lp, safe_t[:, None], axis=1)[:, 0]
    denom = jnp.maximum(vmask.sum(), 1)
    loss = jnp.sum(jnp.where(vmask, nll, 0.0)) / denom
    return loss

if __name__ == "__main__":
    import jax
    _d = setup_inputs()
    print(jax.jit(kernel)(*tuple(_d.values())))

</pallas_src>

<mosaic_0001>
#map = affine_map<(d0, d1) -> (0)>
module attributes {stable_mosaic.version = 14 : i64} {
  func.func @_sel_body(%arg0: i32, %arg1: i32, %arg2: memref<2097152xi32, #tpu.memory_space<hbm>>, %arg3: memref<2097152xf32, #tpu.memory_space<hbm>>, %arg4: memref<128xf32, #tpu.memory_space<hbm>>, %arg5: memref<16xi32, #tpu.memory_space<hbm>>, %arg6: memref<16xf32, #tpu.memory_space<hbm>>, %arg7: memref<8192xi32, #tpu.memory_space<vmem>>, %arg8: memref<8192xf32, #tpu.memory_space<vmem>>, %arg9: memref<8192xi32, #tpu.memory_space<vmem>>, %arg10: memref<8192xf32, #tpu.memory_space<vmem>>, %arg11: memref<16400xi32, #tpu.memory_space<vmem>>, %arg12: memref<16400xf32, #tpu.memory_space<vmem>>, %arg13: memref<16384xi32, #tpu.memory_space<vmem>>, %arg14: memref<16xf32, #tpu.memory_space<vmem>>, %arg15: memref<16xi32, #tpu.memory_space<vmem>>, %arg16: memref<256xi32, #tpu.memory_space<vmem>>, %arg17: memref<16xi32, #tpu.memory_space<vmem>>, %arg18: memref<48xf32, #tpu.memory_space<vmem>>, %arg19: memref<768xf32, #tpu.memory_space<vmem>>, %arg20: memref<!tpu.dma_semaphore, #tpu.memory_space<semaphore_mem>>, %arg21: memref<!tpu.dma_semaphore, #tpu.memory_space<semaphore_mem>>, %arg22: memref<16384xi32, #tpu.memory_space<vmem_shared>>, %arg23: memref<256xi32, #tpu.memory_space<vmem_shared>>, %arg24: memref<16xi32, #tpu.memory_space<vmem_shared>>, %arg25: memref<768xf32, #tpu.memory_space<vmem_shared>>) attributes {dimension_semantics = [#tpu.dimension_semantics<core_parallel>, #tpu.dimension_semantics<subcore_parallel>], iteration_bounds = array<i64: 1, 16>, scalar_prefetch = 0 : i64, scratch_operands = 19 : i64, tpu.core_type = #tpu.core_type<sc_vector_subcore>, window_params = [{transform_indices = #map}, {transform_indices = #map}, {transform_indices = #map}, {transform_indices = #map}, {transform_indices = #map}]} {
    %mul3A = arith.constant 131072 : i32
    %mul3A_0 = arith.muli %arg1, %mul3A : i32
    %broadcast_in_dim3A = arith.constant 0.000000e+00 : f32
    %broadcast_in_dim3A_1 = vector.broadcast %broadcast_in_dim3A : f32 to vector<16xf32>
    %iota3A = tpu.iota {dimensions = array<i32: 0>} : vector<16xi32>
    "tpu.region"() ({
      %run_scoped3A = tpu.sem_alloc : memref<!tpu.dma_semaphore, #tpu.memory_space<semaphore_mem>>
      %dma_start3A_127 = arith.constant 0 : i32
      %dma_start3A_128 = tpu.memref_slice %arg4[%dma_start3A_127] : memref<128xf32, #tpu.memory_space<hbm>> -> memref<16xf32, #tpu.memory_space<hbm>>
      %dma_start3A_129 = arith.constant 0 : i32
      %dma_start3A_130 = tpu.memref_slice %arg4[%dma_start3A_129] : memref<128xf32, #tpu.memory_space<hbm>> -> memref<16xf32, #tpu.memory_space<hbm>>
      tpu.enqueue_dma source(%dma_start3A_130 : memref<16xf32, #tpu.memory_space<hbm>>) target(%arg14 : memref<16xf32, #tpu.memory_space<vmem>>) target_semaphore(%run_scoped3A : memref<!tpu.dma_semaphore, #tpu.memory_space<semaphore_mem>>)
      %dma_wait3A = arith.constant 0 : i32
      %dma_wait3A_131 = tpu.memref_slice %arg4[%dma_wait3A] : memref<128xf32, #tpu.memory_space<hbm>> -> memref<16xf32, #tpu.memory_space<hbm>>
      %dma_wait3A_132 = arith.constant 0 : i32
      %dma_wait3A_133 = tpu.memref_slice %arg4[%dma_wait3A_132] : memref<128xf32, #tpu.memory_space<hbm>> -> memref<16xf32, #tpu.memory_space<hbm>>
      tpu.wait_dma2 semaphore(%run_scoped3A : memref<!tpu.dma_semaphore, #tpu.memory_space<semaphore_mem>>) src(%dma_wait3A_133 : memref<16xf32, #tpu.memory_space<hbm>>) dst(%arg14 : memref<16xf32, #tpu.memory_space<vmem>>)
      tpu.yield
    }) : () -> ()
    %get3A = arith.constant 0 : index
    %get3A_2 = tpu.vector_load %arg14[%get3A] {strides = array<i32>} : memref<16xf32, #tpu.memory_space<vmem>>, vector<16xf32>,
    %eq3A = arith.constant 0 : i32
    %eq3A_3 = vector.broadcast %eq3A : i32 to vector<16xi32>
    %eq3A_4 = arith.cmpi eq, %iota3A, %eq3A_3 : vector<16xi32>
    %jit3A = arith.constant 0.000000e+00 : f32
    %broadcast_in_dim3A_5 = vector.broadcast %jit3A : f32 to vector<16xf32>
    %select_n3A = arith.select %eq3A_4, %get3A_2, %broadcast_in_dim3A_5 : vector<16xi1>, vector<16xf32>
    %reduce_sum3A = arith.constant true
    %reduce_sum3A_6 = vector.broadcast %reduce_sum3A : i1 to vector<16xi1>
    %reduce_sum3A_7 = tpu.scan <sum>, %select_n3A masked %reduce_sum3A_6 : vector<16xf32>, vector<16xi1> -> vector<16xf32>
    %reduce_sum3A_8 = vector.extract %reduce_sum3A_7[15] : f32 from vector<16xf32>
    %eq3A_9 = arith.constant 1 : i32
    %eq3A_10 = vector.broadcast %eq3A_9 : i32 to vector<16xi32>
    %eq3A_11 = arith.cmpi eq, %iota3A, %eq3A_10 : vector<16xi32>
    %jit3A_12 = arith.constant 0.000000e+00 : f32
    %broadcast_in_dim3A_13 = vector.broadcast %jit3A_12 : f32 to vector<16xf32>
    %select_n3A_14 = arith.select %eq3A_11, %get3A_2, %broadcast_in_dim3A_13 : vector<16xi1>, vector<16xf32>
    %reduce_sum3A_15 = arith.constant true
    %reduce_sum3A_16 = vector.broadcast %reduce_sum3A_15 : i1 to vector<16xi1>
    %reduce_sum3A_17 = tpu.scan <sum>, %select_n3A_14 masked %reduce_sum3A_16 : vector<16xf32>, vector<16xi1> -> vector<16xf32>
    %reduce_sum3A_18 = vector.extract %reduce_sum3A_17[15] : f32 from vector<16xf32>
    %eq3A_19 = arith.constant 2 : i32
    %eq3A_20 = vector.broadcast %eq3A_19 : i32 to vector<16xi32>
    %eq3A_21 = arith.cmpi eq, %iota3A, %eq3A_20 : vector<16xi32>
    %jit3A_22 = arith.constant 0.000000e+00 : f32
    %broadcast_in_dim3A_23 = vector.broadcast %jit3A_22 : f32 to vector<16xf32>
    %select_n3A_24 = arith.select %eq3A_21, %get3A_2, %broadcast_in_dim3A_23 : vector<16xi1>, vector<16xf32>
    %reduce_sum3A_25 = arith.constant true
    %reduce_sum3A_26 = vector.broadcast %reduce_sum3A_25 : i1 to vector<16xi1>
    %reduce_sum3A_27 = tpu.scan <sum>, %select_n3A_24 masked %reduce_sum3A_26 : vector<16xf32>, vector<16xi1> -> vector<16xf32>
    %reduce_sum3A_28 = vector.extract %reduce_sum3A_27[15] : f32 from vector<16xf32>
    "tpu.region"() ({
      %run_scoped3A = tpu.sem_alloc : memref<!tpu.dma_semaphore, #tpu.memory_space<semaphore_mem>>
      tpu.enqueue_dma source(%arg5 : memref<16xi32, #tpu.memory_space<hbm>>) target(%arg15 : memref<16xi32, #tpu.memory_space<vmem>>) target_semaphore(%run_scoped3A : memref<!tpu.dma_semaphore, #tpu.memory_space<semaphore_mem>>)
      tpu.wait_dma2 semaphore(%run_scoped3A : memref<!tpu.dma_semaphore, #tpu.memory_space<semaphore_mem>>) src(%arg5 : memref<16xi32, #tpu.memory_space<hbm>>) dst(%arg15 : memref<16xi32, #tpu.memory_space<vmem>>)
      tpu.yield
    }) : () -> ()
    %get3A_29 = arith.constant 0 : index
    %get3A_30 = tpu.vector_load %arg15[%get3A_29] {strides = array<i32>} : memref<16xi32, #tpu.memory_space<vmem>>, vector<16xi32>,
    %eq3A_31 = arith.constant 0 : i32
    %eq3A_32 = vector.broadcast %eq3A_31 : i32 to vector<16xi32>
    %eq3A_33 = arith.cmpi eq, %iota3A, %eq3A_32 : vector<16xi32>
    %jit3A_34 = arith.constant 0 : i32
    %broadcast_in_dim3A_35 = vector.broadcast %jit3A_34 : i32 to vector<16xi32>
    %select_n3A_36 = arith.select %eq3A_33, %get3A_30, %broadcast_in_dim3A_35 : vector<16xi1>, vector<16xi32>
    %reduce_sum3A_37 = arith.constant true
    %reduce_sum3A_38 = vector.broadcast %reduce_sum3A_37 : i1 to vector<16xi1>
    %reduce_sum3A_39 = tpu.scan <sum>, %select_n3A_36 masked %reduce_sum3A_38 : vector<16xi32>, vector<16xi1> -> vector<16xi32>
    %reduce_sum3A_40 = vector.extract %reduce_sum3A_39[15] : i32 from vector<16xi32>
    %convert_element_type3A = arith.fptosi %reduce_sum3A_8 : f32 to i32
    %sub3A = arith.constant 100000 : i32
    %sub3A_41 = arith.subi %sub3A, %convert_element_type3A : i32
    %max3A = arith.constant 1 : i32
    %max3A_42 = arith.maxsi %sub3A_41, %max3A : i32
    %broadcast_in_dim3A_43 = arith.constant 2147483647 : i32
    %broadcast_in_dim3A_44 = vector.broadcast %broadcast_in_dim3A_43 : i32 to vector<16xi32>
    %scan3A = arith.constant 0 : i32
    %scan3A_45 = arith.constant 0 : i32
    %scan3A_46 = arith.constant 64 : i32
    %scan3A_47 = arith.addi %scan3A_45, %scan3A_46 : i32
    %scan3A_48 = arith.constant 1 : i32
    %scan3A_49 = scf.for %scan3A_127 = %scan3A_45 to %scan3A_47 step %scan3A_48 iter_args(%scan3A_128 = %scan3A) -> (i32)  : i32 {
      %mul3A_129 = arith.constant 16 : i32
      %mul3A_130 = arith.muli %scan3A_127, %mul3A_129 : i32
      %swap3A_131 = arith.index_cast %mul3A_130 : i32 to index
      %swap3A_132 = tpu.vector_load %arg11[%swap3A_131] {strides = array<i32>} : memref<16400xi32, #tpu.memory_space<vmem>>, vector<16xi32>,
      tpu.vector_store %arg11[%swap3A_131], %broadcast_in_dim3A_44 {strides = array<i32>} : memref<16400xi32, #tpu.memory_space<vmem>>, vector<16xi32>,
      %scan3A_133 = arith.constant 0 : i32
      scf.yield %scan3A_133 : i32
    }
    %scan3A_50 = arith.constant 64 : i32
    %broadcast_in_dim3A_51 = arith.constant 0 : i32
    %broadcast_in_dim3A_52 = vector.broadcast %broadcast_in_dim3A_51 : i32 to vector<16xi32>
    %add3A = arith.constant 0 : i32
    %add3A_53 = arith.addi %mul3A_0, %add3A : i32
    %dma_start3A = tpu.memref_slice %arg2[%add3A_53] : memref<2097152xi32, #tpu.memory_space<hbm>> -> memref<8192xi32, #tpu.memory_space<hbm>>
    %dma_start3A_54 = tpu.memref_slice %arg2[%add3A_53] : memref<2097152xi32, #tpu.memory_space<hbm>> -> memref<8192xi32, #tpu.memory_space<hbm>>
    tpu.enqueue_dma source(%dma_start3A_54 : memref<8192xi32, #tpu.memory_space<hbm>>) target(%arg7 : memref<8192xi32, #tpu.memory_space<vmem>>) target_semaphore(%arg20 : memref<!tpu.dma_semaphore, #tpu.memory_space<semaphore_mem>>)
    %add3A_55 = arith.constant 0 : i32
    %add3A_56 = arith.addi %mul3A_0, %add3A_55 : i32
    %dma_start3A_57 = tpu.memref_slice %arg3[%add3A_56] : memref<2097152xf32, #tpu.memory_space<hbm>> -> memref<8192xf32, #tpu.memory_space<hbm>>
    %dma_start3A_58 = tpu.memref_slice %arg3[%add3A_56] : memref<2097152xf32, #tpu.memory_space<hbm>> -> memref<8192xf32, #tpu.memory_space<hbm>>
    tpu.enqueue_dma source(%dma_start3A_58 : memref<8192xf32, #tpu.memory_space<hbm>>) target(%arg8 : memref<8192xf32, #tpu.memory_space<vmem>>) target_semaphore(%arg20 : memref<!tpu.dma_semaphore, #tpu.memory_space<semaphore_mem>>)
    %scan3A_59 = arith.constant 0 : i32
    %scan3A_60 = arith.constant 0 : i32
    %scan3A_61 = arith.constant 8 : i32
    %scan3A_62 = arith.addi %scan3A_60, %scan3A_61 : i32
    %scan3A_63 = arith.constant 1 : i32
    %scan3A_64 = scf.for %scan3A_127 = %scan3A_60 to %scan3A_62 step %scan3A_63 iter_args(%scan3A_128 = %scan3A_59) -> (i32)  : i32 {
      %mul3A_129 = arith.constant 2 : i32
      %mul3A_130 = arith.muli %scan3A_127, %mul3A_129 : i32
      %add3A_131 = arith.constant 1 : i32
      %add3A_132 = arith.addi %mul3A_130, %add3A_131 : i32
      %mul3A_133 = arith.constant 8192 : i32
      %mul3A_134 = arith.muli %add3A_132, %mul3A_133 : i32
      %add3A_135 = arith.addi %mul3A_0, %mul3A_134 : i32
      %dma_start3A_136 = tpu.memref_slice %arg2[%add3A_135] : memref<2097152xi32, #tpu.memory_space<hbm>> -> memref<8192xi32, #tpu.memory_space<hbm>>
      %dma_start3A_137 = tpu.memref_slice %arg2[%add3A_135] : memref<2097152xi32, #tpu.memory_space<hbm>> -> memref<8192xi32, #tpu.memory_space<hbm>>
      tpu.enqueue_dma source(%dma_start3A_137 : memref<8192xi32, #tpu.memory_space<hbm>>) target(%arg9 : memref<8192xi32, #tpu.memory_space<vmem>>) target_semaphore(%arg21 : memref<!tpu.dma_semaphore, #tpu.memory_space<semaphore_mem>>)
      %mul3A_138 = arith.constant 8192 : i32
      %mul3A_139 = arith.muli %add3A_132, %mul3A_138 : i32
      %add3A_140 = arith.addi %mul3A_0, %mul3A_139 : i32
      %dma_start3A_141 = tpu.memref_slice %arg3[%add3A_140] : memref<2097152xf32, #tpu.memory_space<hbm>> -> memref<8192xf32, #tpu.memory_space<hbm>>
      %dma_start3A_142 = tpu.memref_slice %arg3[%add3A_140] : memref<2097152xf32, #tpu.memory_space<hbm>> -> memref<8192xf32, #tpu.memory_space<hbm>>
      tpu.enqueue_dma source(%dma_start3A_142 : memref<8192xf32, #tpu.memory_space<hbm>>) target(%arg10 : memref<8192xf32, #tpu.memory_space<vmem>>) target_semaphore(%arg21 : memref<!tpu.dma_semaphore, #tpu.memory_space<semaphore_mem>>)
      %mul3A_143 = arith.constant 8192 : i32
      %mul3A_144 = arith.muli %mul3A_130, %mul3A_143 : i32
      %add3A_145 = arith.addi %mul3A_0, %mul3A_144 : i32
      %dma_wait3A = tpu.memref_slice %arg2[%add3A_145] : memref<2097152xi32, #tpu.memory_space<hbm>> -> memref<8192xi32, #tpu.memory_space<hbm>>
      %dma_wait3A_146 = tpu.memref_slice %arg2[%add3A_145] : memref<2097152xi32, #tpu.memory_space<hbm>> -> memref<8192xi32, #tpu.memory_space<hbm>>
      tpu.wait_dma2 semaphore(%arg20 : memref<!tpu.dma_semaphore, #tpu.memory_space<semaphore_mem>>) src(%dma_wait3A_146 : memref<8192xi32, #tpu.memory_space<hbm>>) dst(%arg7 : memref<8192xi32, #tpu.memory_space<vmem>>)
      %mul3A_147 = arith.constant 8192 : i32
      %mul3A_148 = arith.muli %mul3A_130, %mul3A_147 : i32
      %add3A_149 = arith.addi %mul3A_0, %mul3A_148 : i32
      %dma_wait3A_150 = tpu.memref_slice %arg3[%add3A_149] : memref<2097152xf32, #tpu.memory_space<hbm>> -> memref<8192xf32, #tpu.memory_space<hbm>>
      %dma_wait3A_151 = tpu.memref_slice %arg3[%add3A_149] : memref<2097152xf32, #tpu.memory_space<hbm>> -> memref<8192xf32, #tpu.memory_space<hbm>>
      tpu.wait_dma2 semaphore(%arg20 : memref<!tpu.dma_semaphore, #tpu.memory_space<semaphore_mem>>) src(%dma_wait3A_151 : memref<8192xf32, #tpu.memory_space<hbm>>) dst(%arg8 : memref<8192xf32, #tpu.memory_space<vmem>>)
      %scan3A_152 = arith.constant 0 : i32
      %scan3A_153 = arith.constant 32 : i32
      %scan3A_154 = arith.addi %scan3A_152, %scan3A_153 : i32
      %scan3A_155 = arith.constant 1 : i32
      %scan3A_156 = scf.for %scan3A_182 = %scan3A_152 to %scan3A_154 step %scan3A_155 iter_args(%scan3A_183 = %scan3A_128) -> (i32)  : i32 {
        %mul3A_184 = arith.constant 256 : i32
        %mul3A_185 = arith.muli %scan3A_182, %mul3A_184 : i32
        %add3A_186 = arith.constant 0 : i32
        %add3A_187 = arith.addi %mul3A_185, %add3A_186 : i32
        %get3A_188 = arith.index_cast %add3A_187 : i32 to index
        %get3A_189 = tpu.vector_load %arg7[%get3A_188] {strides = array<i32>} : memref<8192xi32, #tpu.memory_space<vmem>>, vector<16xi32>,
        %ge3A_190 = arith.constant 0 : i32
        %ge3A_191 = vector.broadcast %ge3A_190 : i32 to vector<16xi32>
        %ge3A_192 = arith.cmpi sge, %get3A_189, %ge3A_191 : vector<16xi32>
        %jit3A_193 = arith.constant 1 : i32
        %jit3A_194 = arith.constant 0 : i32
        %broadcast_in_dim3A_195 = vector.broadcast %jit3A_193 : i32 to vector<16xi32>
        %broadcast_in_dim3A_196 = vector.broadcast %jit3A_194 : i32 to vector<16xi32>
        %select_n3A_197 = arith.select %ge3A_192, %broadcast_in_dim3A_195, %broadcast_in_dim3A_196 : vector<16xi1>, vector<16xi32>
        %add3A_198 = arith.addi %broadcast_in_dim3A_52, %select_n3A_197 : vector<16xi32>
        %add3A_199 = arith.constant 16 : i32
        %add3A_200 = arith.addi %mul3A_185, %add3A_199 : i32
        %get3A_201 = arith.index_cast %add3A_200 : i32 to index
        %get3A_202 = tpu.vector_load %arg7[%get3A_201] {strides = array<i32>} : memref<8192xi32, #tpu.memory_space<vmem>>, vector<16xi32>,
        %ge3A_203 = arith.constant 0 : i32
        %ge3A_204 = vector.broadcast %ge3A_203 : i32 to vector<16xi32>
        %ge3A_205 = arith.cmpi sge, %get3A_202, %ge3A_204 : vector<16xi32>
        %jit3A_206 = arith.constant 1 : i32
        %jit3A_207 = arith.constant 0 : i32
        %broadcast_in_dim3A_208 = vector.broadcast %jit3A_206 : i32 to vector<16xi32>
        %broadcast_in_dim3A_209 = vector.broadcast %jit3A_207 : i32 to vector<16xi32>
        %select_n3A_210 = arith.select %ge3A_205, %broadcast_in_dim3A_208, %broadcast_in_dim3A_209 : vector<16xi1>, vector<16xi32>
        %add3A_211 = arith.addi %add3A_198, %select_n3A_210 : vector<16xi32>
        %add3A_212 = arith.constant 32 : i32
        %add3A_213 = arith.addi %mul3A_185, %add3A_212 : i32
        %get3A_214 = arith.index_cast %add3A_213 : i32 to index
        %get3A_215 = tpu.vector_load %arg7[%get3A_214] {strides = array<i32>} : memref<8192xi32, #tpu.memory_space<vmem>>, vector<16xi32>,
        %ge3A_216 = arith.constant 0 : i32
        %ge3A_217 = vector.broadcast %ge3A_216 : i32 to vector<16xi32>
        %ge3A_218 = arith.cmpi sge, %get3A_215, %ge3A_217 : vector<16xi32>
        %jit3A_219 = arith.constant 1 : i32
        %jit3A_220 = arith.constant 0 : i32
        %broadcast_in_dim3A_221 = vector.broadcast %jit3A_219 : i32 to vector<16xi32>
        %broadcast_in_dim3A_222 = vector.broadcast %jit3A_220 : i32 to vector<16xi32>
        %select_n3A_223 = arith.select %ge3A_218, %broadcast_in_dim3A_221, %broadcast_in_dim3A_222 : vector<16xi1>, vector<16xi32>
        %add3A_224 = arith.addi %add3A_211, %select_n3A_223 : vector<16xi32>
        %add3A_225 = arith.constant 48 : i32
        %add3A_226 = arith.addi %mul3A_185, %add3A_225 : i32
        %get3A_227 = arith.index_cast %add3A_226 : i32 to index
        %get3A_228 = tpu.vector_load %arg7[%get3A_227] {strides = array<i32>} : memref<8192xi32, #tpu.memory_space<vmem>>, vector<16xi32>,
        %ge3A_229 = arith.constant 0 : i32
        %ge3A_230 = vector.broadcast %ge3A_229 : i32 to vector<16xi32>
        %ge3A_231 = arith.cmpi sge, %get3A_228, %ge3A_230 : vector<16xi32>
        %jit3A_232 = arith.constant 1 : i32
        %jit3A_233 = arith.constant 0 : i32
        %broadcast_in_dim3A_234 = vector.broadcast %jit3A_232 : i32 to vector<16xi32>
        %broadcast_in_dim3A_235 = vector.broadcast %jit3A_233 : i32 to vector<16xi32>
        %select_n3A_236 = arith.select %ge3A_231, %broadcast_in_dim3A_234, %broadcast_in_dim3A_235 : vector<16xi1>, vector<16xi32>
        %add3A_237 = arith.addi %add3A_224, %select_n3A_236 : vector<16xi32>
        %add3A_238 = arith.constant 64 : i32
        %add3A_239 = arith.addi %mul3A_185, %add3A_238 : i32
        %get3A_240 = arith.index_cast %add3A_239 : i32 to index
        %get3A_241 = tpu.vector_load %arg7[%get3A_240] {strides = array<i32>} : memref<8192xi32, #tpu.memory_space<vmem>>, vector<16xi32>,
        %ge3A_242 = arith.constant 0 : i32
        %ge3A_243 = vector.broadcast %ge3A_242 : i32 to vector<16xi32>
        %ge3A_244 = arith.cmpi sge, %get3A_241, %ge3A_243 : vector<16xi32>
        %jit3A_245 = arith.constant 1 : i32
        %jit3A_246 = arith.constant 0 : i32
        %broadcast_in_dim3A_247 = vector.broadcast %jit3A_245 : i32 to vector<16xi32>
        %broadcast_in_dim3A_248 = vector.broadcast %jit3A_246 : i32 to vector<16xi32>
        %select_n3A_249 = arith.select %ge3A_244, %broadcast_in_dim3A_247, %broadcast_in_dim3A_248 : vector<16xi1>, vector<16xi32>
        %add3A_250 = arith.addi %add3A_237, %select_n3A_249 : vector<16xi32>
        %add3A_251 = arith.constant 80 : i32
        %add3A_252 = arith.addi %mul3A_185, %add3A_251 : i32
        %get3A_253 = arith.index_cast %add3A_252 : i32 to index
        %get3A_254 = tpu.vector_load %arg7[%get3A_253] {strides = array<i32>} : memref<8192xi32, #tpu.memory_space<vmem>>, vector<16xi32>,
        %ge3A_255 = arith.constant 0 : i32
        %ge3A_256 = vector.broadcast %ge3A_255 : i32 to vector<16xi32>
        %ge3A_257 = arith.cmpi sge, %get3A_254, %ge3A_256 : vector<16xi32>
        %jit3A_258 = arith.constant 1 : i32
        %jit3A_259 = arith.constant 0 : i32
        %broadcast_in_dim3A_260 = vector.broadcast %jit3A_258 : i32 to vector<16xi32>
        %broadcast_in_dim3A_261 = vector.broadcast %jit3A_259 : i32 to vector<16xi32>
        %select_n3A_262 = arith.select %ge3A_257, %broadcast_in_dim3A_260, %broadcast_in_dim3A_261 : vector<16xi1>, vector<16xi32>
        %add3A_263 = arith.addi %add3A_250, %select_n3A_262 : vector<16xi32>
        %add3A_264 = arith.constant 96 : i32
        %add3A_265 = arith.addi %mul3A_185, %add3A_264 : i32
        %get3A_266 = arith.index_cast %add3A_265 : i32 to index
        %get3A_267 = tpu.vector_load %arg7[%get3A_266] {strides = array<i32>} : memref<8192xi32, #tpu.memory_space<vmem>>, vector<16xi32>,
        %ge3A_268 = arith.constant 0 : i32
        %ge3A_269 = vector.broadcast %ge3A_268 : i32 to vector<16xi32>
        %ge3A_270 = arith.cmpi sge, %get3A_267, %ge3A_269 : vector<16xi32>
        %jit3A_271 = arith.constant 1 : i32
        %jit3A_272 = arith.constant 0 : i32
        %broadcast_in_dim3A_273 = vector.broadcast %jit3A_271 : i32 to vector<16xi32>
        %broadcast_in_dim3A_274 = vector.broadcast %jit3A_272 : i32 to vector<16xi32>
        %select_n3A_275 = arith.select %ge3A_270, %broadcast_in_dim3A_273, %broadcast_in_dim3A_274 : vector<16xi1>, vector<16xi32>
        %add3A_276 = arith.addi %add3A_263, %select_n3A_275 : vector<16xi32>
        %add3A_277 = arith.constant 112 : i32
        %add3A_278 = arith.addi %mul3A_185, %add3A_277 : i32
        %get3A_279 = arith.index_cast %add3A_278 : i32 to index
        %get3A_280 = tpu.vector_load %arg7[%get3A_279] {strides = array<i32>} : memref<8192xi32, #tpu.memory_space<vmem>>, vector<16xi32>,
        %ge3A_281 = arith.constant 0 : i32
        %ge3A_282 = vector.broadcast %ge3A_281 : i32 to vector<16xi32>
        %ge3A_283 = arith.cmpi sge, %get3A_280, %ge3A_282 : vector<16xi32>
        %jit3A_284 = arith.constant 1 : i32
        %jit3A_285 = arith.constant 0 : i32
        %broadcast_in_dim3A_286 = vector.broadcast %jit3A_284 : i32 to vector<16xi32>
        %broadcast_in_dim3A_287 = vector.broadcast %jit3A_285 : i32 to vector<16xi32>
        %select_n3A_288 = arith.select %ge3A_283, %broadcast_in_dim3A_286, %broadcast_in_dim3A_287 : vector<16xi1>, vector<16xi32>
        %add3A_289 = arith.addi %add3A_276, %select_n3A_288 : vector<16xi32>
        %add3A_290 = arith.constant 128 : i32
        %add3A_291 = arith.addi %mul3A_185, %add3A_290 : i32
        %get3A_292 = arith.index_cast %add3A_291 : i32 to index
        %get3A_293 = tpu.vector_load %arg7[%get3A_292] {strides = array<i32>} : memref<8192xi32, #tpu.memory_space<vmem>>, vector<16xi32>,
        %ge3A_294 = arith.constant 0 : i32
        %ge3A_295 = vector.broadcast %ge3A_294 : i32 to vector<16xi32>
        %ge3A_296 = arith.cmpi sge, %get3A_293, %ge3A_295 : vector<16xi32>
        %jit3A_297 = arith.constant 1 : i32
        %jit3A_298 = arith.constant 0 : i32
        %broadcast_in_dim3A_299 = vector.broadcast %jit3A_297 : i32 to vector<16xi32>
        %broadcast_in_dim3A_300 = vector.broadcast %jit3A_298 : i32 to vector<16xi32>
        %select_n3A_301 = arith.select %ge3A_296, %broadcast_in_dim3A_299, %broadcast_in_dim3A_300 : vector<16xi1>, vector<16xi32>
        %add3A_302 = arith.addi %add3A_289, %select_n3A_301 : vector<16xi32>
        %add3A_303 = arith.constant 144 : i32
        %add3A_304 = arith.addi %mul3A_185, %add3A_303 : i32
        %get3A_305 = arith.index_cast %add3A_304 : i32 to index
        %get3A_306 = tpu.vector_load %arg7[%get3A_305] {strides = array<i32>} : memref<8192xi32, #tpu.memory_space<vmem>>, vector<16xi32>,
        %ge3A_307 = arith.constant 0 : i32
        %ge3A_308 = vector.broadcast %ge3A_307 : i32 to vector<16xi32>
        %ge3A_309 = arith.cmpi sge, %get3A_306, %ge3A_308 : vector<16xi32>
        %jit3A_310 = arith.constant 1 : i32
        %jit3A_311 = arith.constant 0 : i32
        %broadcast_in_dim3A_312 = vector.broadcast %jit3A_310 : i32 to vector<16xi32>
        %broadcast_in_dim3A_313 = vector.broadcast %jit3A_311 : i32 to vector<16xi32>
        %select_n3A_314 = arith.select %ge3A_309, %broadcast_in_dim3A_312, %broadcast_in_dim3A_313 : vector<16xi1>, vector<16xi32>
        %add3A_315 = arith.addi %add3A_302, %select_n3A_314 : vector<16xi32>
        %add3A_316 = arith.constant 160 : i32
        %add3A_317 = arith.addi %mul3A_185, %add3A_316 : i32
        %get3A_318 = arith.index_cast %add3A_317 : i32 to index
        %get3A_319 = tpu.vector_load %arg7[%get3A_318] {strides = array<i32>} : memref<8192xi32, #tpu.memory_space<vmem>>, vector<16xi32>,
        %ge3A_320 = arith.constant 0 : i32
        %ge3A_321 = vector.broadcast %ge3A_320 : i32 to vector<16xi32>
        %ge3A_322 = arith.cmpi sge, %get3A_319, %ge3A_321 : vector<16xi32>
        %jit3A_323 = arith.constant 1 : i32
        %jit3A_324 = arith.constant 0 : i32
        %broadcast_in_dim3A_325 = vector.broadcast %jit3A_323 : i32 to vector<16xi32>
        %broadcast_in_dim3A_326 = vector.broadcast %jit3A_324 : i32 to vector<16xi32>
        %select_n3A_327 = arith.select %ge3A_322, %broadcast_in_dim3A_325, %broadcast_in_dim3A_326 : vector<16xi1>, vector<16xi32>
        %add3A_328 = arith.addi %add3A_315, %select_n3A_327 : vector<16xi32>
        %add3A_329 = arith.constant 176 : i32
        %add3A_330 = arith.addi %mul3A_185, %add3A_329 : i32
        %get3A_331 = arith.index_cast %add3A_330 : i32 to index
        %get3A_332 = tpu.vector_load %arg7[%get3A_331] {strides = array<i32>} : memref<8192xi32, #tpu.memory_space<vmem>>, vector<16xi32>,
        %ge3A_333 = arith.constant 0 : i32
        %ge3A_334 = vector.broadcast %ge3A_333 : i32 to vector<16xi32>
        %ge3A_335 = arith.cmpi sge, %get3A_332, %ge3A_334 : vector<16xi32>
        %jit3A_336 = arith.constant 1 : i32
        %jit3A_337 = arith.constant 0 : i32
        %broadcast_in_dim3A_338 = vector.broadcast %jit3A_336 : i32 to vector<16xi32>
        %broadcast_in_dim3A_339 = vector.broadcast %jit3A_337 : i32 to vector<16xi32>
        %select_n3A_340 = arith.select %ge3A_335, %broadcast_in_dim3A_338, %broadcast_in_dim3A_339 : vector<16xi1>, vector<16xi32>
        %add3A_341 = arith.addi %add3A_328, %select_n3A_340 : vector<16xi32>
        %add3A_342 = arith.constant 192 : i32
        %add3A_343 = arith.addi %mul3A_185, %add3A_342 : i32
        %get3A_344 = arith.index_cast %add3A_343 : i32 to index
        %get3A_345 = tpu.vector_load %arg7[%get3A_344] {strides = array<i32>} : memref<8192xi32, #tpu.memory_space<vmem>>, vector<16xi32>,
        %ge3A_346 = arith.constant 0 : i32
        %ge3A_347 = vector.broadcast %ge3A_346 : i32 to vector<16xi32>
        %ge3A_348 = arith.cmpi sge, %get3A_345, %ge3A_347 : vector<16xi32>
        %jit3A_349 = arith.constant 1 : i32
        %jit3A_350 = arith.constant 0 : i32
        %broadcast_in_dim3A_351 = vector.broadcast %jit3A_349 : i32 to vector<16xi32>
        %broadcast_in_dim3A_352 = vector.broadcast %jit3A_350 : i32 to vector<16xi32>
        %select_n3A_353 = arith.select %ge3A_348, %broadcast_in_dim3A_351, %broadcast_in_dim3A_352 : vector<16xi1>, vector<16xi32>
        %add3A_354 = arith.addi %add3A_341, %select_n3A_353 : vector<16xi32>
        %add3A_355 = arith.constant 208 : i32
        %add3A_356 = arith.addi %mul3A_185, %add3A_355 : i32
        %get3A_357 = arith.index_cast %add3A_356 : i32 to index
        %get3A_358 = tpu.vector_load %arg7[%get3A_357] {strides = array<i32>} : memref<8192xi32, #tpu.memory_space<vmem>>, vector<16xi32>,
        %ge3A_359 = arith.constant 0 : i32
        %ge3A_360 = vector.broadcast %ge3A_359 : i32 to vector<16xi32>
        %ge3A_361 = arith.cmpi sge, %get3A_358, %ge3A_360 : vector<16xi32>
        %jit3A_362 = arith.constant 1 : i32
        %jit3A_363 = arith.constant 0 : i32
        %broadcast_in_dim3A_364 = vector.broadcast %jit3A_362 : i32 to vector<16xi32>
        %broadcast_in_dim3A_365 = vector.broadcast %jit3A_363 : i32 to vector<16xi32>
        %select_n3A_366 = arith.select %ge3A_361, %broadcast_in_dim3A_364, %broadcast_in_dim3A_365 : vector<16xi1>, vector<16xi32>
        %add3A_367 = arith.addi %add3A_354, %select_n3A_366 : vector<16xi32>
        %add3A_368 = arith.constant 224 : i32
        %add3A_369 = arith.addi %mul3A_185, %add3A_368 : i32
        %get3A_370 = arith.index_cast %add3A_369 : i32 to index
        %get3A_371 = tpu.vector_load %arg7[%get3A_370] {strides = array<i32>} : memref<8192xi32, #tpu.memory_space<vmem>>, vector<16xi32>,
        %ge3A_372 = arith.constant 0 : i32
        %ge3A_373 = vector.broadcast %ge3A_372 : i32 to vector<16xi32>
        %ge3A_374 = arith.cmpi sge, %get3A_371, %ge3A_373 : vector<16xi32>
        %jit3A_375 = arith.constant 1 : i32
        %jit3A_376 = arith.constant 0 : i32
        %broadcast_in_dim3A_377 = vector.broadcast %jit3A_375 : i32 to vector<16xi32>
        %broadcast_in_dim3A_378 = vector.broadcast %jit3A_376 : i32 to vector<16xi32>
        %select_n3A_379 = arith.select %ge3A_374, %broadcast_in_dim3A_377, %broadcast_in_dim3A_378 : vector<16xi1>, vector<16xi32>
        %add3A_380 = arith.addi %add3A_367, %select_n3A_379 : vector<16xi32>
        %add3A_381 = arith.constant 240 : i32
        %add3A_382 = arith.addi %mul3A_185, %add3A_381 : i32
        %get3A_383 = arith.index_cast %add3A_382 : i32 to index
        %get3A_384 = tpu.vector_load %arg7[%get3A_383] {strides = array<i32>} : memref<8192xi32, #tpu.memory_space<vmem>>, vector<16xi32>,
        %ge3A_385 = arith.constant 0 : i32
        %ge3A_386 = vector.broadcast %ge3A_385 : i32 to vector<16xi32>
        %ge3A_387 = arith.cmpi sge, %get3A_384, %ge3A_386 : vector<16xi32>
        %jit3A_388 = arith.constant 1 : i32
        %jit3A_389 = arith.constant 0 : i32
        %broadcast_in_dim3A_390 = vector.broadcast %jit3A_388 : i32 to vector<16xi32>
        %broadcast_in_dim3A_391 = vector.broadcast %jit3A_389 : i32 to vector<16xi32>
        %select_n3A_392 = arith.select %ge3A_387, %broadcast_in_dim3A_390, %broadcast_in_dim3A_391 : vector<16xi1>, vector<16xi32>
        %add3A_393 = arith.addi %add3A_380, %select_n3A_392 : vector<16xi32>
        %reduce_max3A_394 = arith.constant true
        %reduce_max3A_395 = vector.broadcast %reduce_max3A_394 : i1 to vector<16xi1>
        %reduce_max3A_396 = arith.constant -2147483648 : i32
        %reduce_max3A_397 = vector.broadcast %reduce_max3A_396 : i32 to vector<16xi32>
        %reduce_max3A_398 = arith.xori %add3A_393, %reduce_max3A_397 : vector<16xi32>
        %reduce_max3A_399 = tpu.scan <max>, %reduce_max3A_398 masked %reduce_max3A_395 : vector<16xi32>, vector<16xi1> -> vector<16xi32>
        %reduce_max3A_400 = arith.xori %reduce_max3A_399, %reduce_max3A_397 : vector<16xi32>
        %reduce_max3A_401 = vector.extract %reduce_max3A_400[15] : i32 from vector<16xi32>
        %gt3A_402 = arith.constant 0 : i32
        %gt3A_403 = arith.cmpi sgt, %reduce_max3A_401, %gt3A_402 : i32
        %convert_element_type3A_404 = arith.extui %gt3A_403 : i1 to i32
        %cond3A_405 = arith.constant 0 : i32
        %cond3A_406 = arith.cmpi ne, %convert_element_type3A_404, %cond3A_405 : i32
        %cond3A_407 = scf.if %cond3A_406 -> (i32) {
          %scan3A_408 = arith.constant 0 : i32
          %scan3A_409 = arith.constant 16 : i32
          %scan3A_410 = arith.addi %scan3A_408, %scan3A_409 : i32
          %scan3A_411 = arith.constant 1 : i32
          %scan3A_412 = scf.for %scan3A_414 = %scan3A_408 to %scan3A_410 step %scan3A_411 iter_args(%scan3A_415 = %scan3A_183) -> (i32)  : i32 {
            %mul3A_416 = arith.constant 16 : i32
            %mul3A_417 = arith.muli %scan3A_414, %mul3A_416 : i32
            %add3A_418 = arith.addi %mul3A_185, %mul3A_417 : i32
            %get3A_419 = arith.index_cast %add3A_418 : i32 to index
            %get3A_420 = tpu.vector_load %arg7[%get3A_419] {strides = array<i32>} : memref<8192xi32, #tpu.memory_space<vmem>>, vector<16xi32>,
            %mul3A_421 = arith.constant 16 : i32
            %mul3A_422 = arith.muli %scan3A_414, %mul3A_421 : i32
            %add3A_423 = arith.addi %mul3A_185, %mul3A_422 : i32
            %get3A_424 = arith.index_cast %add3A_423 : i32 to index
            %get3A_425 = tpu.vector_load %arg8[%get3A_424] {strides = array<i32>} : memref<8192xf32, #tpu.memory_space<vmem>>, vector<16xf32>,
            %ge3A_426 = arith.constant 0 : i32
            %ge3A_427 = vector.broadcast %ge3A_426 : i32 to vector<16xi32>
            %ge3A_428 = arith.cmpi sge, %get3A_420, %ge3A_427 : vector<16xi32>
            %min3A_429 = arith.constant 16384 : i32
            %min3A_430 = arith.minsi %scan3A_415, %min3A_429 : i32
            %swap3A_431 = arith.index_cast %min3A_430 : i32 to index
            %swap3A_432 = tpu.vector_load %arg11[%swap3A_431] masked %ge3A_428 {strides = array<i32>} : memref<16400xi32, #tpu.memory_space<vmem>>, vector<16xi32>, vector<16xi1>
            tpu.vector_store %arg11[%swap3A_431], %get3A_420 masked %ge3A_428 {strides = array<i32>} : memref<16400xi32, #tpu.memory_space<vmem>>, vector<16xi32>, vector<16xi1>
            %swap3A_433 = arith.index_cast %min3A_430 : i32 to index
            %swap3A_434 = tpu.vector_load %arg12[%swap3A_433] masked %ge3A_428 {strides = array<i32>} : memref<16400xf32, #tpu.memory_space<vmem>>, vector<16xf32>, vector<16xi1>
            tpu.vector_store %arg12[%swap3A_433], %get3A_425 masked %ge3A_428 {strides = array<i32>} : memref<16400xf32, #tpu.memory_space<vmem>>, vector<16xf32>, vector<16xi1>
            %all_reduce_population_count3A = tpu.all_reduce %ge3A_428 {dim = 0 : i64, kind = #tpu.reduction_kind<sum>} : vector<16xi1> -> vector<16xi32>
            %reduce_max3A_435 = arith.constant true
            %reduce_max3A_436 = vector.broadcast %reduce_max3A_435 : i1 to vector<16xi1>
            %reduce_max3A_437 = arith.constant -2147483648 : i32
            %reduce_max3A_438 = vector.broadcast %reduce_max3A_437 : i32 to vector<16xi32>
            %reduce_max3A_439 = arith.xori %all_reduce_population_count3A, %reduce_max3A_438 : vector<16xi32>
            %reduce_max3A_440 = tpu.scan <max>, %reduce_max3A_439 masked %reduce_max3A_436 : vector<16xi32>, vector<16xi1> -> vector<16xi32>
            %reduce_max3A_441 = arith.xori %reduce_max3A_440, %reduce_max3A_438 : vector<16xi32>
            %reduce_max3A_442 = vector.extract %reduce_max3A_441[15] : i32 from vector<16xi32>
            %add3A_443 = arith.addi %scan3A_415, %reduce_max3A_442 : i32
            scf.yield %add3A_443 : i32
          }
          %scan3A_413 = arith.constant 16 : i32
          scf.yield %scan3A_412 : i32
        } else {
          scf.yield %scan3A_183 : i32
        }
        scf.yield %cond3A_407 : i32
      }
      %scan3A_157 = arith.constant 32 : i32
      %add3A_158 = arith.constant 2 : i32
      %add3A_159 = arith.addi %mul3A_130, %add3A_158 : i32
      %lt3A = arith.constant 16 : i32
      %lt3A_160 = arith.cmpi slt, %add3A_159, %lt3A : i32
      %convert_element_type3A_161 = arith.extui %lt3A_160 : i1 to i32
      %cond3A_162 = arith.constant 0 : i32
      %cond3A_163 = arith.cmpi ne, %convert_element_type3A_161, %cond3A_162 : i32
      scf.if %cond3A_163 {
        %add3A_182 = arith.constant 2 : i32
        %add3A_183 = arith.addi %mul3A_130, %add3A_182 : i32
        %mul3A_184 = arith.constant 8192 : i32
        %mul3A_185 = arith.muli %add3A_183, %mul3A_184 : i32
        %add3A_186 = arith.addi %mul3A_0, %mul3A_185 : i32
        %dma_start3A_187 = tpu.memref_slice %arg2[%add3A_186] : memref<2097152xi32, #tpu.memory_space<hbm>> -> memref<8192xi32, #tpu.memory_space<hbm>>
        %dma_start3A_188 = tpu.memref_slice %arg2[%add3A_186] : memref<2097152xi32, #tpu.memory_space<hbm>> -> memref<8192xi32, #tpu.memory_space<hbm>>
        tpu.enqueue_dma source(%dma_start3A_188 : memref<8192xi32, #tpu.memory_space<hbm>>) target(%arg7 : memref<8192xi32, #tpu.memory_space<vmem>>) target_semaphore(%arg20 : memref<!tpu.dma_semaphore, #tpu.memory_space<semaphore_mem>>)
        %mul3A_189 = arith.constant 8192 : i32
        %mul3A_190 = arith.muli %add3A_183, %mul3A_189 : i32
        %add3A_191 = arith.addi %mul3A_0, %mul3A_190 : i32
        %dma_start3A_192 = tpu.memref_slice %arg3[%add3A_191] : memref<2097152xf32, #tpu.memory_space<hbm>> -> memref<8192xf32, #tpu.memory_space<hbm>>
        %dma_start3A_193 = tpu.memref_slice %arg3[%add3A_191] : memref<2097152xf32, #tpu.memory_space<hbm>> -> memref<8192xf32, #tpu.memory_space<hbm>>
        tpu.enqueue_dma source(%dma_start3A_193 : memref<8192xf32, #tpu.memory_space<hbm>>) target(%arg8 : memref<8192xf32, #tpu.memory_space<vmem>>) target_semaphore(%arg20 : memref<!tpu.dma_semaphore, #tpu.memory_space<semaphore_mem>>)
      } else {
      }
      %add3A_164 = arith.constant 1 : i32
      %add3A_165 = arith.addi %mul3A_130, %add3A_164 : i32
      %mul3A_166 = arith.constant 8192 : i32
      %mul3A_167 = arith.muli %add3A_165, %mul3A_166 : i32
      %add3A_168 = arith.addi %mul3A_0, %mul3A_167 : i32
      %dma_wait3A_169 = tpu.memref_slice %arg2[%add3A_168] : memref<2097152xi32, #tpu.memory_space<hbm>> -> memref<8192xi32, #tpu.memory_space<hbm>>
      %dma_wait3A_170 = tpu.memref_slice %arg2[%add3A_168] : memref<2097152xi32, #tpu.memory_space<hbm>> -> memref<8192xi32, #tpu.memory_space<hbm>>
      tpu.wait_dma2 semaphore(%arg21 : memref<!tpu.dma_semaphore, #tpu.memory_space<semaphore_mem>>) src(%dma_wait3A_170 : memref<8192xi32, #tpu.memory_space<hbm>>) dst(%arg9 : memref<8192xi32, #tpu.memory_space<vmem>>)
      %mul3A_171 = arith.constant 8192 : i32
      %mul3A_172 = arith.muli %add3A_165, %mul3A_171 : i32
      %add3A_173 = arith.addi %mul3A_0, %mul3A_172 : i32
      %dma_wait3A_174 = tpu.memref_slice %arg3[%add3A_173] : memref<2097152xf32, #tpu.memory_space<hbm>> -> memref<8192xf32, #tpu.memory_space<hbm>>
      %dma_wait3A_175 = tpu.memref_slice %arg3[%add3A_173] : memref<2097152xf32, #tpu.memory_space<hbm>> -> memref<8192xf32, #tpu.memory_space<hbm>>
      tpu.wait_dma2 semaphore(%arg21 : memref<!tpu.dma_semaphore, #tpu.memory_space<semaphore_mem>>) src(%dma_wait3A_175 : memref<8192xf32, #tpu.memory_space<hbm>>) dst(%arg10 : memref<8192xf32, #tpu.memory_space<vmem>>)
      %scan3A_176 = arith.constant 0 : i32
      %scan3A_177 = arith.constant 32 : i32
      %scan3A_178 = arith.addi %scan3A_176, %scan3A_177 : i32
      %scan3A_179 = arith.constant 1 : i32
      %scan3A_180 = scf.for %scan3A_182 = %scan3A_176 to %scan3A_178 step %scan3A_179 iter_args(%scan3A_183 = %scan3A_156) -> (i32)  : i32 {
        %mul3A_184 = arith.constant 256 : i32
        %mul3A_185 = arith.muli %scan3A_182, %mul3A_184 : i32
        %add3A_186 = arith.constant 0 : i32
        %add3A_187 = arith.addi %mul3A_185, %add3A_186 : i32
        %get3A_188 = arith.index_cast %add3A_187 : i32 to index
        %get3A_189 = tpu.vector_load %arg9[%get3A_188] {strides = array<i32>} : memref<8192xi32, #tpu.memory_space<vmem>>, vector<16xi32>,
        %ge3A_190 = arith.constant 0 : i32
        %ge3A_191 = vector.broadcast %ge3A_190 : i32 to vector<16xi32>
        %ge3A_192 = arith.cmpi sge, %get3A_189, %ge3A_191 : vector<16xi32>
        %jit3A_193 = arith.constant 1 : i32
        %jit3A_194 = arith.constant 0 : i32
        %broadcast_in_dim3A_195 = vector.broadcast %jit3A_193 : i32 to vector<16xi32>
        %broadcast_in_dim3A_196 = vector.broadcast %jit3A_194 : i32 to vector<16xi32>
        %select_n3A_197 = arith.select %ge3A_192, %broadcast_in_dim3A_195, %broadcast_in_dim3A_196 : vector<16xi1>, vector<16xi32>
        %add3A_198 = arith.addi %broadcast_in_dim3A_52, %select_n3A_197 : vector<16xi32>
        %add3A_199 = arith.constant 16 : i32
        %add3A_200 = arith.addi %mul3A_185, %add3A_199 : i32
        %get3A_201 = arith.index_cast %add3A_200 : i32 to index
        %get3A_202 = tpu.vector_load %arg9[%get3A_201] {strides = array<i32>} : memref<8192xi32, #tpu.memory_space<vmem>>, vector<16xi32>,
        %ge3A_203 = arith.constant 0 : i32
        %ge3A_204 = vector.broadcast %ge3A_203 : i32 to vector<16xi32>
        %ge3A_205 = arith.cmpi sge, %get3A_202, %ge3A_204 : vector<16xi32>
        %jit3A_206 = arith.constant 1 : i32
        %jit3A_207 = arith.constant 0 : i32
        %broadcast_in_dim3A_208 = vector.broadcast %jit3A_206 : i32 to vector<16xi32>
        %broadcast_in_dim3A_209 = vector.broadcast %jit3A_207 : i32 to vector<16xi32>
        %select_n3A_210 = arith.select %ge3A_205, %broadcast_in_dim3A_208, %broadcast_in_dim3A_209 : vector<16xi1>, vector<16xi32>
        %add3A_211 = arith.addi %add3A_198, %select_n3A_210 : vector<16xi32>
        %add3A_212 = arith.constant 32 : i32
        %add3A_213 = arith.addi %mul3A_185, %add3A_212 : i32
        %get3A_214 = arith.index_cast %add3A_213 : i32 to index
        %get3A_215 = tpu.vector_load %arg9[%get3A_214] {strides = array<i32>} : memref<8192xi32, #tpu.memory_space<vmem>>, vector<16xi32>,
        %ge3A_216 = arith.constant 0 : i32
        %ge3A_217 = vector.broadcast %ge3A_216 : i32 to vector<16xi32>
        %ge3A_218 = arith.cmpi sge, %get3A_215, %ge3A_217 : vector<16xi32>
        %jit3A_219 = arith.constant 1 : i32
        %jit3A_220 = arith.constant 0 : i32
        %broadcast_in_dim3A_221 = vector.broadcast %jit3A_219 : i32 to vector<16xi32>
        %broadcast_in_dim3A_222 = vector.broadcast %jit3A_220 : i32 to vector<16xi32>
        %select_n3A_223 = arith.select %ge3A_218, %broadcast_in_dim3A_221, %broadcast_in_dim3A_222 : vector<16xi1>, vector<16xi32>
        %add3A_224 = arith.addi %add3A_211, %select_n3A_223 : vector<16xi32>
        %add3A_225 = arith.constant 48 : i32
        %add3A_226 = arith.addi %mul3A_185, %add3A_225 : i32
        %get3A_227 = arith.index_cast %add3A_226 : i32 to index
        %get3A_228 = tpu.vector_load %arg9[%get3A_227] {strides = array<i32>} : memref<8192xi32, #tpu.memory_space<vmem>>, vector<16xi32>,
        %ge3A_229 = arith.constant 0 : i32
        %ge3A_230 = vector.broadcast %ge3A_229 : i32 to vector<16xi32>
        %ge3A_231 = arith.cmpi sge, %get3A_228, %ge3A_230 : vector<16xi32>
        %jit3A_232 = arith.constant 1 : i32
        %jit3A_233 = arith.constant 0 : i32
        %broadcast_in_dim3A_234 = vector.broadcast %jit3A_232 : i32 to vector<16xi32>
        %broadcast_in_dim3A_235 = vector.broadcast %jit3A_233 : i32 to vector<16xi32>
        %select_n3A_236 = arith.select %ge3A_231, %broadcast_in_dim3A_234, %broadcast_in_dim3A_235 : vector<16xi1>, vector<16xi32>
        %add3A_237 = arith.addi %add3A_224, %select_n3A_236 : vector<16xi32>
        %add3A_238 = arith.constant 64 : i32
        %add3A_239 = arith.addi %mul3A_185, %add3A_238 : i32
        %get3A_240 = arith.index_cast %add3A_239 : i32 to index
        %get3A_241 = tpu.vector_load %arg9[%get3A_240] {strides = array<i32>} : memref<8192xi32, #tpu.memory_space<vmem>>, vector<16xi32>,
        %ge3A_242 = arith.constant 0 : i32
        %ge3A_243 = vector.broadcast %ge3A_242 : i32 to vector<16xi32>
        %ge3A_244 = arith.cmpi sge, %get3A_241, %ge3A_243 : vector<16xi32>
        %jit3A_245 = arith.constant 1 : i32
        %jit3A_246 = arith.constant 0 : i32
        %broadcast_in_dim3A_247 = vector.broadcast %jit3A_245 : i32 to vector<16xi32>
        %broadcast_in_dim3A_248 = vector.broadcast %jit3A_246 : i32 to vector<16xi32>
        %select_n3A_249 = arith.select %ge3A_244, %broadcast_in_dim3A_247, %broadcast_in_dim3A_248 : vector<16xi1>, vector<16xi32>
        %add3A_250 = arith.addi %add3A_237, %select_n3A_249 : vector<16xi32>
        %add3A_251 = arith.constant 80 : i32
        %add3A_252 = arith.addi %mul3A_185, %add3A_251 : i32
        %get3A_253 = arith.index_cast %add3A_252 : i32 to index
        %get3A_254 = tpu.vector_load %arg9[%get3A_253] {strides = array<i32>} : memref<8192xi32, #tpu.memory_space<vmem>>, vector<16xi32>,
        %ge3A_255 = arith.constant 0 : i32
        %ge3A_256 = vector.broadcast %ge3A_255 : i32 to vector<16xi32>
        %ge3A_257 = arith.cmpi sge, %get3A_254, %ge3A_256 : vector<16xi32>
        %jit3A_258 = arith.constant 1 : i32
        %jit3A_259 = arith.constant 0 : i32
        %broadcast_in_dim3A_260 = vector.broadcast %jit3A_258 : i32 to vector<16xi32>
        %broadcast_in_dim3A_261 = vector.broadcast %jit3A_259 : i32 to vector<16xi32>
        %select_n3A_262 = arith.select %ge3A_257, %broadcast_in_dim3A_260, %broadcast_in_dim3A_261 : vector<16xi1>, vector<16xi32>
        %add3A_263 = arith.addi %add3A_250, %select_n3A_262 : vector<16xi32>
        %add3A_264 = arith.constant 96 : i32
        %add3A_265 = arith.addi %mul3A_185, %add3A_264 : i32
        %get3A_266 = arith.index_cast %add3A_265 : i32 to index
        %get3A_267 = tpu.vector_load %arg9[%get3A_266] {strides = array<i32>} : memref<8192xi32, #tpu.memory_space<vmem>>, vector<16xi32>,
        %ge3A_268 = arith.constant 0 : i32
        %ge3A_269 = vector.broadcast %ge3A_268 : i32 to vector<16xi32>
        %ge3A_270 = arith.cmpi sge, %get3A_267, %ge3A_269 : vector<16xi32>
        %jit3A_271 = arith.constant 1 : i32
        %jit3A_272 = arith.constant 0 : i32
        %broadcast_in_dim3A_273 = vector.broadcast %jit3A_271 : i32 to vector<16xi32>
        %broadcast_in_dim3A_274 = vector.broadcast %jit3A_272 : i32 to vector<16xi32>
        %select_n3A_275 = arith.select %ge3A_270, %broadcast_in_dim3A_273, %broadcast_in_dim3A_274 : vector<16xi1>, vector<16xi32>
        %add3A_276 = arith.addi %add3A_263, %select_n3A_275 : vector<16xi32>
        %add3A_277 = arith.constant 112 : i32
        %add3A_278 = arith.addi %mul3A_185, %add3A_277 : i32
        %get3A_279 = arith.index_cast %add3A_278 : i32 to index
        %get3A_280 = tpu.vector_load %arg9[%get3A_279] {strides = array<i32>} : memref<8192xi32, #tpu.memory_space<vmem>>, vector<16xi32>,
        %ge3A_281 = arith.constant 0 : i32
        %ge3A_282 = vector.broadcast %ge3A_281 : i32 to vector<16xi32>
        %ge3A_283 = arith.cmpi sge, %get3A_280, %ge3A_282 : vector<16xi32>
        %jit3A_284 = arith.constant 1 : i32
        %jit3A_285 = arith.constant 0 : i32
        %broadcast_in_dim3A_286 = vector.broadcast %jit3A_284 : i32 to vector<16xi32>
        %broadcast_in_dim3A_287 = vector.broadcast %jit3A_285 : i32 to vector<16xi32>
        %select_n3A_288 = arith.select %ge3A_283, %broadcast_in_dim3A_286, %broadcast_in_dim3A_287 : vector<16xi1>, vector<16xi32>
        %add3A_289 = arith.addi %add3A_276, %select_n3A_288 : vector<16xi32>
        %add3A_290 = arith.constant 128 : i32
        %add3A_291 = arith.addi %mul3A_185, %add3A_290 : i32
        %get3A_292 = arith.index_cast %add3A_291 : i32 to index
        %get3A_293 = tpu.vector_load %arg9[%get3A_292] {strides = array<i32>} : memref<8192xi32, #tpu.memory_space<vmem>>, vector<16xi32>,
        %ge3A_294 = arith.constant 0 : i32
        %ge3A_295 = vector.broadcast %ge3A_294 : i32 to vector<16xi32>
        %ge3A_296 = arith.cmpi sge, %get3A_293, %ge3A_295 : vector<16xi32>
        %jit3A_297 = arith.constant 1 : i32
        %jit3A_298 = arith.constant 0 : i32
        %broadcast_in_dim3A_299 = vector.broadcast %jit3A_297 : i32 to vector<16xi32>
        %broadcast_in_dim3A_300 = vector.broadcast %jit3A_298 : i32 to vector<16xi32>
        %select_n3A_301 = arith.select %ge3A_296, %broadcast_in_dim3A_299, %broadcast_in_dim3A_300 : vector<16xi1>, vector<16xi32>
        %add3A_302 = arith.addi %add3A_289, %select_n3A_301 : vector<16xi32>
        %add3A_303 = arith.constant 144 : i32
        %add3A_304 = arith.addi %mul3A_185, %add3A_303 : i32
        %get3A_305 = arith.index_cast %add3A_304 : i32 to index
        %get3A_306 = tpu.vector_load %arg9[%get3A_305] {strides = array<i32>} : memref<8192xi32, #tpu.memory_space<vmem>>, vector<16xi32>,
        %ge3A_307 = arith.constant 0 : i32
        %ge3A_308 = vector.broadcast %ge3A_307 : i32 to vector<16xi32>
        %ge3A_309 = arith.cmpi sge, %get3A_306, %ge3A_308 : vector<16xi32>
        %jit3A_310 = arith.constant 1 : i32
        %jit3A_311 = arith.constant 0 : i32
        %broadcast_in_dim3A_312 = vector.broadcast %jit3A_310 : i32 to vector<16xi32>
        %broadcast_in_dim3A_313 = vector.broadcast %jit3A_311 : i32 to vector<16xi32>
        %select_n3A_314 = arith.select %ge3A_309, %broadcast_in_dim3A_312, %broadcast_in_dim3A_313 : vector<16xi1>, vector<16xi32>
        %add3A_315 = arith.addi %add3A_302, %select_n3A_314 : vector<16xi32>
        %add3A_316 = arith.constant 160 : i32
        %add3A_317 = arith.addi %mul3A_185, %add3A_316 : i32
        %get3A_318 = arith.index_cast %add3A_317 : i32 to index
        %get3A_319 = tpu.vector_load %arg9[%get3A_318] {strides = array<i32>} : memref<8192xi32, #tpu.memory_space<vmem>>, vector<16xi32>,
        %ge3A_320 = arith.constant 0 : i32
        %ge3A_321 = vector.broadcast %ge3A_320 : i32 to vector<16xi32>
        %ge3A_322 = arith.cmpi sge, %get3A_319, %ge3A_321 : vector<16xi32>
        %jit3A_323 = arith.constant 1 : i32
        %jit3A_324 = arith.constant 0 : i32
        %broadcast_in_dim3A_325 = vector.broadcast %jit3A_323 : i32 to vector<16xi32>
        %broadcast_in_dim3A_326 = vector.broadcast %jit3A_324 : i32 to vector<16xi32>
        %select_n3A_327 = arith.select %ge3A_322, %broadcast_in_dim3A_325, %broadcast_in_dim3A_326 : vector<16xi1>, vector<16xi32>
        %add3A_328 = arith.addi %add3A_315, %select_n3A_327 : vector<16xi32>
        %add3A_329 = arith.constant 176 : i32
        %add3A_330 = arith.addi %mul3A_185, %add3A_329 : i32
        %get3A_331 = arith.index_cast %add3A_330 : i32 to index
        %get3A_332 = tpu.vector_load %arg9[%get3A_331] {strides = array<i32>} : memref<8192xi32, #tpu.memory_space<vmem>>, vector<16xi32>,
        %ge3A_333 = arith.constant 0 : i32
        %ge3A_334 = vector.broadcast %ge3A_333 : i32 to vector<16xi32>
        %ge3A_335 = arith.cmpi sge, %get3A_332, %ge3A_334 : vector<16xi32>
        %jit3A_336 = arith.constant 1 : i32
        %jit3A_337 = arith.constant 0 : i32
        %broadcast_in_dim3A_338 = vector.broadcast %jit3A_336 : i32 to vector<16xi32>
        %broadcast_in_dim3A_339 = vector.broadcast %jit3A_337 : i32 to vector<16xi32>
        %select_n3A_340 = arith.select %ge3A_335, %broadcast_in_dim3A_338, %broadcast_in_dim3A_339 : vector<16xi1>, vector<16xi32>
        %add3A_341 = arith.addi %add3A_328, %select_n3A_340 : vector<16xi32>
        %add3A_342 = arith.constant 192 : i32
        %add3A_343 = arith.addi %mul3A_185, %add3A_342 : i32
        %get3A_344 = arith.index_cast %add3A_343 : i32 to index
        %get3A_345 = tpu.vector_load %arg9[%get3A_344] {strides = array<i32>} : memref<8192xi32, #tpu.memory_space<vmem>>, vector<16xi32>,
        %ge3A_346 = arith.constant 0 : i32
        %ge3A_347 = vector.broadcast %ge3A_346 : i32 to vector<16xi32>
        %ge3A_348 = arith.cmpi sge, %get3A_345, %ge3A_347 : vector<16xi32>
        %jit3A_349 = arith.constant 1 : i32
        %jit3A_350 = arith.constant 0 : i32
        %broadcast_in_dim3A_351 = vector.broadcast %jit3A_349 : i32 to vector<16xi32>
        %broadcast_in_dim3A_352 = vector.broadcast %jit3A_350 : i32 to vector<16xi32>
        %select_n3A_353 = arith.select %ge3A_348, %broadcast_in_dim3A_351, %broadcast_in_dim3A_352 : vector<16xi1>, vector<16xi32>
        %add3A_354 = arith.addi %add3A_341, %select_n3A_353 : vector<16xi32>
        %add3A_355 = arith.constant 208 : i32
        %add3A_356 = arith.addi %mul3A_185, %add3A_355 : i32
        %get3A_357 = arith.index_cast %add3A_356 : i32 to index
        %get3A_358 = tpu.vector_load %arg9[%get3A_357] {strides = array<i32>} : memref<8192xi32, #tpu.memory_space<vmem>>, vector<16xi32>,
        %ge3A_359 = arith.constant 0 : i32
        %ge3A_360 = vector.broadcast %ge3A_359 : i32 to vector<16xi32>
        %ge3A_361 = arith.cmpi sge, %get3A_358, %ge3A_360 : vector<16xi32>
        %jit3A_362 = arith.constant 1 : i32
        %jit3A_363 = arith.constant 0 : i32
        %broadcast_in_dim3A_364 = vector.broadcast %jit3A_362 : i32 to vector<16xi32>
        %broadcast_in_dim3A_365 = vector.broadcast %jit3A_363 : i32 to vector<16xi32>
        %select_n3A_366 = arith.select %ge3A_361, %broadcast_in_dim3A_364, %broadcast_in_dim3A_365 : vector<16xi1>, vector<16xi32>
        %add3A_367 = arith.addi %add3A_354, %select_n3A_366 : vector<16xi32>
        %add3A_368 = arith.constant 224 : i32
        %add3A_369 = arith.addi %mul3A_185, %add3A_368 : i32
        %get3A_370 = arith.index_cast %add3A_369 : i32 to index
        %get3A_371 = tpu.vector_load %arg9[%get3A_370] {strides = array<i32>} : memref<8192xi32, #tpu.memory_space<vmem>>, vector<16xi32>,
        %ge3A_372 = arith.constant 0 : i32
        %ge3A_373 = vector.broadcast %ge3A_372 : i32 to vector<16xi32>
        %ge3A_374 = arith.cmpi sge, %get3A_371, %ge3A_373 : vector<16xi32>
        %jit3A_375 = arith.constant 1 : i32
        %jit3A_376 = arith.constant 0 : i32
        %broadcast_in_dim3A_377 = vector.broadcast %jit3A_375 : i32 to vector<16xi32>
        %broadcast_in_dim3A_378 = vector.broadcast %jit3A_376 : i32 to vector<16xi32>
        %select_n3A_379 = arith.select %ge3A_374, %broadcast_in_dim3A_377, %broadcast_in_dim3A_378 : vector<16xi1>, vector<16xi32>
        %add3A_380 = arith.addi %add3A_367, %select_n3A_379 : vector<16xi32>
        %add3A_381 = arith.constant 240 : i32
        %add3A_382 = arith.addi %mul3A_185, %add3A_381 : i32
        %get3A_383 = arith.index_cast %add3A_382 : i32 to index
        %get3A_384 = tpu.vector_load %arg9[%get3A_383] {strides = array<i32>} : memref<8192xi32, #tpu.memory_space<vmem>>, vector<16xi32>,
        %ge3A_385 = arith.constant 0 : i32
        %ge3A_386 = vector.broadcast %ge3A_385 : i32 to vector<16xi32>
        %ge3A_387 = arith.cmpi sge, %get3A_384, %ge3A_386 : vector<16xi32>
        %jit3A_388 = arith.constant 1 : i32
        %jit3A_389 = arith.constant 0 : i32
        %broadcast_in_dim3A_390 = vector.broadcast %jit3A_388 : i32 to vector<16xi32>
        %broadcast_in_dim3A_391 = vector.broadcast %jit3A_389 : i32 to vector<16xi32>
        %select_n3A_392 = arith.select %ge3A_387, %broadcast_in_dim3A_390, %broadcast_in_dim3A_391 : vector<16xi1>, vector<16xi32>
        %add3A_393 = arith.addi %add3A_380, %select_n3A_392 : vector<16xi32>
        %reduce_max3A_394 = arith.constant true
        %reduce_max3A_395 = vector.broadcast %reduce_max3A_394 : i1 to vector<16xi1>
        %reduce_max3A_396 = arith.constant -2147483648 : i32
        %reduce_max3A_397 = vector.broadcast %reduce_max3A_396 : i32 to vector<16xi32>
        %reduce_max3A_398 = arith.xori %add3A_393, %reduce_max3A_397 : vector<16xi32>
        %reduce_max3A_399 = tpu.scan <max>, %reduce_max3A_398 masked %reduce_max3A_395 : vector<16xi32>, vector<16xi1> -> vector<16xi32>
        %reduce_max3A_400 = arith.xori %reduce_max3A_399, %reduce_max3A_397 : vector<16xi32>
        %reduce_max3A_401 = vector.extract %reduce_max3A_400[15] : i32 from vector<16xi32>
        %gt3A_402 = arith.constant 0 : i32
        %gt3A_403 = arith.cmpi sgt, %reduce_max3A_401, %gt3A_402 : i32
        %convert_element_type3A_404 = arith.extui %gt3A_403 : i1 to i32
        %cond3A_405 = arith.constant 0 : i32
        %cond3A_406 = arith.cmpi ne, %convert_element_type3A_404, %cond3A_405 : i32
        %cond3A_407 = scf.if %cond3A_406 -> (i32) {
          %scan3A_408 = arith.constant 0 : i32
          %scan3A_409 = arith.constant 16 : i32
          %scan3A_410 = arith.addi %scan3A_408, %scan3A_409 : i32
          %scan3A_411 = arith.constant 1 : i32
          %scan3A_412 = scf.for %scan3A_414 = %scan3A_408 to %scan3A_410 step %scan3A_411 iter_args(%scan3A_415 = %scan3A_183) -> (i32)  : i32 {
            %mul3A_416 = arith.constant 16 : i32
            %mul3A_417 = arith.muli %scan3A_414, %mul3A_416 : i32
            %add3A_418 = arith.addi %mul3A_185, %mul3A_417 : i32
            %get3A_419 = arith.index_cast %add3A_418 : i32 to index
            %get3A_420 = tpu.vector_load %arg9[%get3A_419] {strides = array<i32>} : memref<8192xi32, #tpu.memory_space<vmem>>, vector<16xi32>,
            %mul3A_421 = arith.constant 16 : i32
            %mul3A_422 = arith.muli %scan3A_414, %mul3A_421 : i32
            %add3A_423 = arith.addi %mul3A_185, %mul3A_422 : i32
            %get3A_424 = arith.index_cast %add3A_423 : i32 to index
            %get3A_425 = tpu.vector_load %arg10[%get3A_424] {strides = array<i32>} : memref<8192xf32, #tpu.memory_space<vmem>>, vector<16xf32>,
            %ge3A_426 = arith.constant 0 : i32
            %ge3A_427 = vector.broadcast %ge3A_426 : i32 to vector<16xi32>
            %ge3A_428 = arith.cmpi sge, %get3A_420, %ge3A_427 : vector<16xi32>
            %min3A_429 = arith.constant 16384 : i32
            %min3A_430 = arith.minsi %scan3A_415, %min3A_429 : i32
            %swap3A_431 = arith.index_cast %min3A_430 : i32 to index
            %swap3A_432 = tpu.vector_load %arg11[%swap3A_431] masked %ge3A_428 {strides = array<i32>} : memref<16400xi32, #tpu.memory_space<vmem>>, vector<16xi32>, vector<16xi1>
            tpu.vector_store %arg11[%swap3A_431], %get3A_420 masked %ge3A_428 {strides = array<i32>} : memref<16400xi32, #tpu.memory_space<vmem>>, vector<16xi32>, vector<16xi1>
            %swap3A_433 = arith.index_cast %min3A_430 : i32 to index
            %swap3A_434 = tpu.vector_load %arg12[%swap3A_433] masked %ge3A_428 {strides = array<i32>} : memref<16400xf32, #tpu.memory_space<vmem>>, vector<16xf32>, vector<16xi1>
            tpu.vector_store %arg12[%swap3A_433], %get3A_425 masked %ge3A_428 {strides = array<i32>} : memref<16400xf32, #tpu.memory_space<vmem>>, vector<16xf32>, vector<16xi1>
            %all_reduce_population_count3A = tpu.all_reduce %ge3A_428 {dim = 0 : i64, kind = #tpu.reduction_kind<sum>} : vector<16xi1> -> vector<16xi32>
            %reduce_max3A_435 = arith.constant true
            %reduce_max3A_436 = vector.broadcast %reduce_max3A_435 : i1 to vector<16xi1>
            %reduce_max3A_437 = arith.constant -2147483648 : i32
            %reduce_max3A_438 = vector.broadcast %reduce_max3A_437 : i32 to vector<16xi32>
            %reduce_max3A_439 = arith.xori %all_reduce_population_count3A, %reduce_max3A_438 : vector<16xi32>
            %reduce_max3A_440 = tpu.scan <max>, %reduce_max3A_439 masked %reduce_max3A_436 : vector<16xi32>, vector<16xi1> -> vector<16xi32>
            %reduce_max3A_441 = arith.xori %reduce_max3A_440, %reduce_max3A_438 : vector<16xi32>
            %reduce_max3A_442 = vector.extract %reduce_max3A_441[15] : i32 from vector<16xi32>
            %add3A_443 = arith.addi %scan3A_415, %reduce_max3A_442 : i32
            scf.yield %add3A_443 : i32
          }
          %scan3A_413 = arith.constant 16 : i32
          scf.yield %scan3A_412 : i32
        } else {
          scf.yield %scan3A_183 : i32
        }
        scf.yield %cond3A_407 : i32
      }
      %scan3A_181 = arith.constant 32 : i32
      scf.yield %scan3A_180 : i32
    }
    %scan3A_65 = arith.constant 8 : i32
    %broadcast_in_dim3A_66 = vector.broadcast %scan3A_64 : i32 to vector<16xi32>
    %swap3A = arith.constant 0 : index
    %swap3A_67 = tpu.vector_load %arg15[%swap3A] {strides = array<i32>} : memref<16xi32, #tpu.memory_space<vmem>>, vector<16xi32>,
    tpu.vector_store %arg15[%swap3A], %broadcast_in_dim3A_66 {strides = array<i32>} : memref<16xi32, #tpu.memory_space<vmem>>, vector<16xi32>,
    %mul3A_68 = arith.constant 16 : i32
    %mul3A_69 = arith.muli %arg1, %mul3A_68 : i32
    "tpu.region"() ({
      %run_scoped3A = tpu.sem_alloc : memref<!tpu.dma_semaphore, #tpu.memory_space<semaphore_mem>>
      %dma_start3A_127 = tpu.memref_slice %arg23[%mul3A_69] : memref<256xi32, #tpu.memory_space<vmem_shared>> -> memref<16xi32, #tpu.memory_space<vmem_shared>>
      %dma_start3A_128 = tpu.memref_slice %arg23[%mul3A_69] : memref<256xi32, #tpu.memory_space<vmem_shared>> -> memref<16xi32, #tpu.memory_space<vmem_shared>>
      tpu.enqueue_dma source(%arg15 : memref<16xi32, #tpu.memory_space<vmem>>) target(%dma_start3A_128 : memref<16xi32, #tpu.memory_space<vmem_shared>>) target_semaphore(%run_scoped3A : memref<!tpu.dma_semaphore, #tpu.memory_space<semaphore_mem>>)
      %dma_wait3A = tpu.memref_slice %arg23[%mul3A_69] : memref<256xi32, #tpu.memory_space<vmem_shared>> -> memref<16xi32, #tpu.memory_space<vmem_shared>>
      %dma_wait3A_129 = tpu.memref_slice %arg23[%mul3A_69] : memref<256xi32, #tpu.memory_space<vmem_shared>> -> memref<16xi32, #tpu.memory_space<vmem_shared>>
      tpu.wait_dma2 semaphore(%run_scoped3A : memref<!tpu.dma_semaphore, #tpu.memory_space<semaphore_mem>>) src(%arg15 : memref<16xi32, #tpu.memory_space<vmem>>) dst(%dma_wait3A_129 : memref<16xi32, #tpu.memory_space<vmem_shared>>)
      tpu.yield
    }) : () -> ()
    %mul3A_70 = arith.constant 1024 : i32
    %mul3A_71 = arith.muli %arg1, %mul3A_70 : i32
    "tpu.region"() ({
      %run_scoped3A = tpu.sem_alloc : memref<!tpu.dma_semaphore, #tpu.memory_space<semaphore_mem>>
      %dma_start3A_127 = arith.constant 0 : i32
      %dma_start3A_128 = tpu.memref_slice %arg11[%dma_start3A_127] : memref<16400xi32, #tpu.memory_space<vmem>> -> memref<1024xi32, #tpu.memory_space<vmem>>
      %dma_start3A_129 = tpu.memref_slice %arg22[%mul3A_71] : memref<16384xi32, #tpu.memory_space<vmem_shared>> -> memref<1024xi32, #tpu.memory_space<vmem_shared>>
      %dma_start3A_130 = tpu.memref_slice %arg22[%mul3A_71] : memref<16384xi32, #tpu.memory_space<vmem_shared>> -> memref<1024xi32, #tpu.memory_space<vmem_shared>>
      %dma_start3A_131 = arith.constant 0 : i32
      %dma_start3A_132 = tpu.memref_slice %arg11[%dma_start3A_131] : memref<16400xi32, #tpu.memory_space<vmem>> -> memref<1024xi32, #tpu.memory_space<vmem>>
      tpu.enqueue_dma source(%dma_start3A_132 : memref<1024xi32, #tpu.memory_space<vmem>>) target(%dma_start3A_130 : memref<1024xi32, #tpu.memory_space<vmem_shared>>) target_semaphore(%run_scoped3A : memref<!tpu.dma_semaphore, #tpu.memory_space<semaphore_mem>>)
      %dma_wait3A = arith.constant 0 : i32
      %dma_wait3A_133 = tpu.memref_slice %arg11[%dma_wait3A] : memref<16400xi32, #tpu.memory_space<vmem>> -> memref<1024xi32, #tpu.memory_space<vmem>>
      %dma_wait3A_134 = tpu.memref_slice %arg22[%mul3A_71] : memref<16384xi32, #tpu.memory_space<vmem_shared>> -> memref<1024xi32, #tpu.memory_space<vmem_shared>>
      %dma_wait3A_135 = tpu.memref_slice %arg22[%mul3A_71] : memref<16384xi32, #tpu.memory_space<vmem_shared>> -> memref<1024xi32, #tpu.memory_space<vmem_shared>>
      %dma_wait3A_136 = arith.constant 0 : i32
      %dma_wait3A_137 = tpu.memref_slice %arg11[%dma_wait3A_136] : memref<16400xi32, #tpu.memory_space<vmem>> -> memref<1024xi32, #tpu.memory_space<vmem>>
      tpu.wait_dma2 semaphore(%run_scoped3A : memref<!tpu.dma_semaphore, #tpu.memory_space<semaphore_mem>>) src(%dma_wait3A_137 : memref<1024xi32, #tpu.memory_space<vmem>>) dst(%dma_wait3A_135 : memref<1024xi32, #tpu.memory_space<vmem_shared>>)
      tpu.yield
    }) : () -> ()
    %barrier3A = arith.constant 0 : index
    tpu.barrier barrier_id(%barrier3A)
    "tpu.region"() ({
      %run_scoped3A = tpu.sem_alloc : memref<!tpu.dma_semaphore, #tpu.memory_space<semaphore_mem>>
      tpu.enqueue_dma source(%arg23 : memref<256xi32, #tpu.memory_space<vmem_shared>>) target(%arg16 : memref<256xi32, #tpu.memory_space<vmem>>) target_semaphore(%run_scoped3A : memref<!tpu.dma_semaphore, #tpu.memory_space<semaphore_mem>>)
      tpu.wait_dma2 semaphore(%run_scoped3A : memref<!tpu.dma_semaphore, #tpu.memory_space<semaphore_mem>>) src(%arg23 : memref<256xi32, #tpu.memory_space<vmem_shared>>) dst(%arg16 : memref<256xi32, #tpu.memory_space<vmem>>)
      tpu.yield
    }) : () -> ()
    %scan3A_72 = arith.constant 0 : i32
    %scan3A_73 = arith.constant 0 : i32
    %scan3A_74 = arith.constant 16 : i32
    %scan3A_75 = arith.addi %scan3A_73, %scan3A_74 : i32
    %scan3A_76 = arith.constant 1 : i32
    %scan3A_77 = scf.for %scan3A_127 = %scan3A_73 to %scan3A_75 step %scan3A_76 iter_args(%scan3A_128 = %scan3A_72) -> (i32)  : i32 {
      %mul3A_129 = arith.constant 16 : i32
      %mul3A_130 = arith.muli %scan3A_127, %mul3A_129 : i32
      %get3A_131 = arith.index_cast %mul3A_130 : i32 to index
      %get3A_132 = tpu.vector_load %arg16[%get3A_131] {strides = array<i32>} : memref<256xi32, #tpu.memory_space<vmem>>, vector<16xi32>,
      %reduce_max3A_133 = arith.constant true
      %reduce_max3A_134 = vector.broadcast %reduce_max3A_133 : i1 to vector<16xi1>
      %reduce_max3A_135 = arith.constant -2147483648 : i32
      %reduce_max3A_136 = vector.broadcast %reduce_max3A_135 : i32 to vector<16xi32>
      %reduce_max3A_137 = arith.xori %get3A_132, %reduce_max3A_136 : vector<16xi32>
      %reduce_max3A_138 = tpu.scan <max>, %reduce_max3A_137 masked %reduce_max3A_134 : vector<16xi32>, vector<16xi1> -> vector<16xi32>
      %reduce_max3A_139 = arith.xori %reduce_max3A_138, %reduce_max3A_136 : vector<16xi32>
      %reduce_max3A_140 = vector.extract %reduce_max3A_139[15] : i32 from vector<16xi32>
      %max3A_141 = arith.maxsi %scan3A_128, %reduce_max3A_140 : i32
      scf.yield %max3A_141 : i32
    }
    %scan3A_78 = arith.constant 16 : i32
    %le3A = arith.constant 1024 : i32
    %le3A_79 = arith.cmpi sle, %scan3A_77, %le3A : i32
    %convert_element_type3A_80 = arith.extui %le3A_79 : i1 to i32
    %cond3A = arith.constant 0 : i32
    %cond3A_81 = arith.cmpi ne, %convert_element_type3A_80, %cond3A : i32
    scf.if %cond3A_81 {
      "tpu.region"() ({
        %run_scoped3A = tpu.sem_alloc : memref<!tpu.dma_semaphore, #tpu.memory_space<semaphore_mem>>
        tpu.enqueue_dma source(%arg22 : memref<16384xi32, #tpu.memory_space<vmem_shared>>) target(%arg13 : memref<16384xi32, #tpu.memory_space<vmem>>) target_semaphore(%run_scoped3A : memref<!tpu.dma_semaphore, #tpu.memory_space<semaphore_mem>>)
        tpu.wait_dma2 semaphore(%run_scoped3A : memref<!tpu.dma_semaphore, #tpu.memory_space<semaphore_mem>>) src(%arg22 : memref<16384xi32, #tpu.memory_space<vmem_shared>>) dst(%arg13 : memref<16384xi32, #tpu.memory_space<vmem>>)
        tpu.yield
      }) : () -> ()
      %scan3A_127 = arith.constant 0 : i32
      %scan3A_128 = arith.constant 0 : i32
      %scan3A_129 = arith.constant 23 : i32
      %scan3A_130 = arith.addi %scan3A_128, %scan3A_129 : i32
      %scan3A_131 = arith.constant 1 : i32
      %scan3A_132 = scf.for %scan3A_137 = %scan3A_128 to %scan3A_130 step %scan3A_131 iter_args(%scan3A_138 = %scan3A_127) -> (i32)  : i32 {
        %sub3A_139 = arith.constant 22 : i32
        %sub3A_140 = arith.subi %sub3A_139, %scan3A_137 : i32
        %shift_left3A = arith.constant 1 : i32
        %shift_left3A_141 = arith.shli %shift_left3A, %sub3A_140 : i32
        %add3A_142 = arith.addi %scan3A_138, %shift_left3A_141 : i32
        %sub3A_143 = arith.constant 1 : i32
        %sub3A_144 = arith.subi %add3A_142, %sub3A_143 : i32
        %scan3A_145 = arith.constant 0 : i32
        %scan3A_146 = arith.constant 0 : i32
        %scan3A_147 = arith.constant 16 : i32
        %scan3A_148 = arith.addi %scan3A_146, %scan3A_147 : i32
        %scan3A_149 = arith.constant 1 : i32
        %scan3A_150 = scf.for %scan3A_155 = %scan3A_146 to %scan3A_148 step %scan3A_149 iter_args(%scan3A_156 = %scan3A_145) -> (i32)  : i32 {
          %mul3A_157 = arith.constant 16 : i32
          %mul3A_158 = arith.muli %scan3A_155, %mul3A_157 : i32
          %get3A_159 = arith.index_cast %mul3A_158 : i32 to index
          %get3A_160 = tpu.vector_load %arg16[%get3A_159] {strides = array<i32>} : memref<256xi32, #tpu.memory_space<vmem>>, vector<16xi32>,
          %reduce_max3A_161 = arith.constant true
          %reduce_max3A_162 = vector.broadcast %reduce_max3A_161 : i1 to vector<16xi1>
          %reduce_max3A_163 = arith.constant -2147483648 : i32
          %reduce_max3A_164 = vector.broadcast %reduce_max3A_163 : i32 to vector<16xi32>
          %reduce_max3A_165 = arith.xori %get3A_160, %reduce_max3A_164 : vector<16xi32>
          %reduce_max3A_166 = tpu.scan <max>, %reduce_max3A_165 masked %reduce_max3A_162 : vector<16xi32>, vector<16xi1> -> vector<16xi32>
          %reduce_max3A_167 = arith.xori %reduce_max3A_166, %reduce_max3A_164 : vector<16xi32>
          %reduce_max3A_168 = vector.extract %reduce_max3A_167[15] : i32 from vector<16xi32>
          %add3A_169 = arith.constant 15 : i32
          %add3A_170 = arith.addi %reduce_max3A_168, %add3A_169 : i32
          %shift_right_arithmetic3A_171 = arith.constant 4 : i32
          %shift_right_arithmetic3A_172 = arith.shrsi %add3A_170, %shift_right_arithmetic3A_171 : i32
          %while3A = arith.constant 0 : i32
          %while3A_173 = arith.subi %shift_right_arithmetic3A_172, %while3A : i32
          %while3A_174 = arith.addi %while3A, %while3A_173 : i32
          %while3A_175 = arith.constant 1 : i32
          %while3A_176 = arith.divsi %while3A_173, %while3A_175 : i32
          %while3A_177 = arith.muli %while3A_176, %while3A_175 : i32
          %while3A_178 = arith.addi %while3A, %while3A_177 : i32
          %while3A_179 = arith.constant 1 : i32
          %while3A_180 = scf.for %while3A_183 = %while3A to %while3A_178 step %while3A_179 iter_args(%while3A_184 = %scan3A_156) -> (i32)  : i32 {
            %mul3A_185 = arith.constant 1024 : i32
            %mul3A_186 = arith.muli %scan3A_155, %mul3A_185 : i32
            %mul3A_187 = arith.constant 16 : i32
            %mul3A_188 = arith.muli %while3A_183, %mul3A_187 : i32
            %add3A_189 = arith.addi %mul3A_186, %mul3A_188 : i32
            %get3A_190 = arith.index_cast %add3A_189 : i32 to index
            %get3A_191 = tpu.vector_load %arg13[%get3A_190] {strides = array<i32>} : memref<16384xi32, #tpu.memory_space<vmem>>, vector<16xi32>,
            %mul3A_192 = arith.constant 16 : i32
            %mul3A_193 = arith.muli %while3A_183, %mul3A_192 : i32
            %sub3A_194 = arith.subi %reduce_max3A_168, %mul3A_193 : i32
            %lt3A_195 = vector.broadcast %sub3A_194 : i32 to vector<16xi32>
            %lt3A_196 = arith.cmpi slt, %iota3A, %lt3A_195 : vector<16xi32>
            %le3A_197 = vector.broadcast %sub3A_144 : i32 to vector<16xi32>
            %le3A_198 = arith.cmpi sle, %get3A_191, %le3A_197 : vector<16xi32>
            %and3A = arith.andi %lt3A_196, %le3A_198 : vector<16xi1>
            %all_reduce_population_count3A = tpu.all_reduce %and3A {dim = 0 : i64, kind = #tpu.reduction_kind<sum>} : vector<16xi1> -> vector<16xi32>
            %reduce_max3A_199 = arith.constant true
            %reduce_max3A_200 = vector.broadcast %reduce_max3A_199 : i1 to vector<16xi1>
            %reduce_max3A_201 = arith.constant -2147483648 : i32
            %reduce_max3A_202 = vector.broadcast %reduce_max3A_201 : i32 to vector<16xi32>
            %reduce_max3A_203 = arith.xori %all_reduce_population_count3A, %reduce_max3A_202 : vector<16xi32>
            %reduce_max3A_204 = tpu.scan <max>, %reduce_max3A_203 masked %reduce_max3A_200 : vector<16xi32>, vector<16xi1> -> vector<16xi32>
            %reduce_max3A_205 = arith.xori %reduce_max3A_204, %reduce_max3A_202 : vector<16xi32>
            %reduce_max3A_206 = vector.extract %reduce_max3A_205[15] : i32 from vector<16xi32>
            %add3A_207 = arith.addi %while3A_184, %reduce_max3A_206 : i32
            scf.yield %add3A_207 : i32
          }
          %while3A_181 = arith.constant 1 : i32
          %while3A_182 = scf.for %while3A_183 = %while3A_178 to %while3A_174 step %while3A_181 iter_args(%while3A_184 = %while3A_180) -> (i32)  : i32 {
            %mul3A_185 = arith.constant 1024 : i32
            %mul3A_186 = arith.muli %scan3A_155, %mul3A_185 : i32
            %mul3A_187 = arith.constant 16 : i32
            %mul3A_188 = arith.muli %while3A_183, %mul3A_187 : i32
            %add3A_189 = arith.addi %mul3A_186, %mul3A_188 : i32
            %get3A_190 = arith.index_cast %add3A_189 : i32 to index
            %get3A_191 = tpu.vector_load %arg13[%get3A_190] {strides = array<i32>} : memref<16384xi32, #tpu.memory_space<vmem>>, vector<16xi32>,
            %mul3A_192 = arith.constant 16 : i32
            %mul3A_193 = arith.muli %while3A_183, %mul3A_192 : i32
            %sub3A_194 = arith.subi %reduce_max3A_168, %mul3A_193 : i32
            %lt3A_195 = vector.broadcast %sub3A_194 : i32 to vector<16xi32>
            %lt3A_196 = arith.cmpi slt, %iota3A, %lt3A_195 : vector<16xi32>
            %le3A_197 = vector.broadcast %sub3A_144 : i32 to vector<16xi32>
            %le3A_198 = arith.cmpi sle, %get3A_191, %le3A_197 : vector<16xi32>
            %and3A = arith.andi %lt3A_196, %le3A_198 : vector<16xi1>
            %all_reduce_population_count3A = tpu.all_reduce %and3A {dim = 0 : i64, kind = #tpu.reduction_kind<sum>} : vector<16xi1> -> vector<16xi32>
            %reduce_max3A_199 = arith.constant true
            %reduce_max3A_200 = vector.broadcast %reduce_max3A_199 : i1 to vector<16xi1>
            %reduce_max3A_201 = arith.constant -2147483648 : i32
            %reduce_max3A_202 = vector.broadcast %reduce_max3A_201 : i32 to vector<16xi32>
            %reduce_max3A_203 = arith.xori %all_reduce_population_count3A, %reduce_max3A_202 : vector<16xi32>
            %reduce_max3A_204 = tpu.scan <max>, %reduce_max3A_203 masked %reduce_max3A_200 : vector<16xi32>, vector<16xi1> -> vector<16xi32>
            %reduce_max3A_205 = arith.xori %reduce_max3A_204, %reduce_max3A_202 : vector<16xi32>
            %reduce_max3A_206 = vector.extract %reduce_max3A_205[15] : i32 from vector<16xi32>
            %add3A_207 = arith.addi %while3A_184, %reduce_max3A_206 : i32
            scf.yield %add3A_207 : i32
          }
          scf.yield %while3A_182 : i32
        }
        %scan3A_151 = arith.constant 16 : i32
        %lt3A = arith.cmpi slt, %scan3A_150, %max3A_42 : i32
        %add3A_152 = arith.constant 1 : i32
        %add3A_153 = arith.addi %sub3A_144, %add3A_152 : i32
        %select_n3A_154 = arith.select %lt3A, %add3A_153, %scan3A_138 : i32
        scf.yield %select_n3A_154 : i32
      }
      %scan3A_133 = arith.constant 23 : i32
      %broadcast_in_dim3A_134 = vector.broadcast %scan3A_132 : i32 to vector<16xi32>
      %swap3A_135 = arith.constant 0 : index
      %swap3A_136 = tpu.vector_load %arg17[%swap3A_135] {strides = array<i32>} : memref<16xi32, #tpu.memory_space<vmem>>, vector<16xi32>,
      tpu.vector_store %arg17[%swap3A_135], %broadcast_in_dim3A_134 {strides = array<i32>} : memref<16xi32, #tpu.memory_space<vmem>>, vector<16xi32>,
    } else {
    }
    %not3A = arith.constant true
    %not3A_82 = arith.xori %le3A_79, %not3A : i1
    %convert_element_type3A_83 = arith.extui %not3A_82 : i1 to i32
    %cond3A_84 = arith.constant 0 : i32
    %cond3A_85 = arith.cmpi ne, %convert_element_type3A_83, %cond3A_84 : i32
    scf.if %cond3A_85 {
      %eq3A_127 = arith.constant 0 : i32
      %eq3A_128 = arith.cmpi eq, %arg1, %eq3A_127 : i32
      %convert_element_type3A_129 = arith.extui %eq3A_128 : i1 to i32
      %cond3A_130 = arith.constant 0 : i32
      %cond3A_131 = arith.cmpi ne, %convert_element_type3A_129, %cond3A_130 : i32
      scf.if %cond3A_131 {
        %scan3A_132 = arith.constant 0 : i32
        %scan3A_133 = arith.constant 0 : i32
        %scan3A_134 = arith.constant 23 : i32
        %scan3A_135 = arith.addi %scan3A_133, %scan3A_134 : i32
        %scan3A_136 = arith.constant 1 : i32
        %scan3A_137 = scf.for %scan3A_142 = %scan3A_133 to %scan3A_135 step %scan3A_136 iter_args(%scan3A_143 = %scan3A_132) -> (i32)  : i32 {
          %sub3A_144 = arith.constant 22 : i32
          %sub3A_145 = arith.subi %sub3A_144, %scan3A_142 : i32
          %shift_left3A = arith.constant 1 : i32
          %shift_left3A_146 = arith.shli %shift_left3A, %sub3A_145 : i32
          %add3A_147 = arith.addi %scan3A_143, %shift_left3A_146 : i32
          %sub3A_148 = arith.constant 1 : i32
          %sub3A_149 = arith.subi %add3A_147, %sub3A_148 : i32
          %scan3A_150 = arith.constant 0 : i32
          %scan3A_151 = arith.constant 0 : i32
          %scan3A_152 = arith.constant 256 : i32
          %scan3A_153 = arith.addi %scan3A_151, %scan3A_152 : i32
          %scan3A_154 = arith.constant 1 : i32
          %scan3A_155 = scf.for %scan3A_160 = %scan3A_151 to %scan3A_153 step %scan3A_154 iter_args(%scan3A_161 = %scan3A_150) -> (i32)  : i32 {
            %mul3A_162 = arith.constant 8192 : i32
            %mul3A_163 = arith.muli %scan3A_160, %mul3A_162 : i32
            "tpu.region"() ({
              %run_scoped3A = tpu.sem_alloc : memref<!tpu.dma_semaphore, #tpu.memory_space<semaphore_mem>>
              %dma_start3A_170 = tpu.memref_slice %arg2[%mul3A_163] : memref<2097152xi32, #tpu.memory_space<hbm>> -> memref<8192xi32, #tpu.memory_space<hbm>>
              %dma_start3A_171 = tpu.memref_slice %arg2[%mul3A_163] : memref<2097152xi32, #tpu.memory_space<hbm>> -> memref<8192xi32, #tpu.memory_space<hbm>>
              tpu.enqueue_dma source(%dma_start3A_171 : memref<8192xi32, #tpu.memory_space<hbm>>) target(%arg7 : memref<8192xi32, #tpu.memory_space<vmem>>) target_semaphore(%run_scoped3A : memref<!tpu.dma_semaphore, #tpu.memory_space<semaphore_mem>>)
              %dma_wait3A = tpu.memref_slice %arg2[%mul3A_163] : memref<2097152xi32, #tpu.memory_space<hbm>> -> memref<8192xi32, #tpu.memory_space<hbm>>
              %dma_wait3A_172 = tpu.memref_slice %arg2[%mul3A_163] : memref<2097152xi32, #tpu.memory_space<hbm>> -> memref<8192xi32, #tpu.memory_space<hbm>>
              tpu.wait_dma2 semaphore(%run_scoped3A : memref<!tpu.dma_semaphore, #tpu.memory_space<semaphore_mem>>) src(%dma_wait3A_172 : memref<8192xi32, #tpu.memory_space<hbm>>) dst(%arg7 : memref<8192xi32, #tpu.memory_space<vmem>>)
              tpu.yield
            }) : () -> ()
            %scan3A_164 = arith.constant 0 : i32
            %scan3A_165 = arith.constant 512 : i32
            %scan3A_166 = arith.addi %scan3A_164, %scan3A_165 : i32
            %scan3A_167 = arith.constant 1 : i32
            %scan3A_168 = scf.for %scan3A_170 = %scan3A_164 to %scan3A_166 step %scan3A_167 iter_args(%scan3A_171 = %scan3A_161) -> (i32)  : i32 {
              %mul3A_172 = arith.constant 16 : i32
              %mul3A_173 = arith.muli %scan3A_170, %mul3A_172 : i32
              %get3A_174 = arith.index_cast %mul3A_173 : i32 to index
              %get3A_175 = tpu.vector_load %arg7[%get3A_174] {strides = array<i32>} : memref<8192xi32, #tpu.memory_space<vmem>>, vector<16xi32>,
              %ge3A_176 = arith.constant 0 : i32
              %ge3A_177 = vector.broadcast %ge3A_176 : i32 to vector<16xi32>
              %ge3A_178 = arith.cmpi sge, %get3A_175, %ge3A_177 : vector<16xi32>
              %le3A_179 = vector.broadcast %sub3A_149 : i32 to vector<16xi32>
              %le3A_180 = arith.cmpi sle, %get3A_175, %le3A_179 : vector<16xi32>
              %and3A = arith.andi %ge3A_178, %le3A_180 : vector<16xi1>
              %all_reduce_population_count3A = tpu.all_reduce %and3A {dim = 0 : i64, kind = #tpu.reduction_kind<sum>} : vector<16xi1> -> vector<16xi32>
              %reduce_max3A_181 = arith.constant true
              %reduce_max3A_182 = vector.broadcast %reduce_max3A_181 : i1 to vector<16xi1>
              %reduce_max3A_183 = arith.constant -2147483648 : i32
              %reduce_max3A_184 = vector.broadcast %reduce_max3A_183 : i32 to vector<16xi32>
              %reduce_max3A_185 = arith.xori %all_reduce_population_count3A, %reduce_max3A_184 : vector<16xi32>
              %reduce_max3A_186 = tpu.scan <max>, %reduce_max3A_185 masked %reduce_max3A_182 : vector<16xi32>, vector<16xi1> -> vector<16xi32>
              %reduce_max3A_187 = arith.xori %reduce_max3A_186, %reduce_max3A_184 : vector<16xi32>
              %reduce_max3A_188 = vector.extract %reduce_max3A_187[15] : i32 from vector<16xi32>
              %add3A_189 = arith.addi %scan3A_171, %reduce_max3A_188 : i32
              scf.yield %add3A_189 : i32
            }
            %scan3A_169 = arith.constant 512 : i32
            scf.yield %scan3A_168 : i32
          }
          %scan3A_156 = arith.constant 256 : i32
          %lt3A = arith.cmpi slt, %scan3A_155, %max3A_42 : i32
          %add3A_157 = arith.constant 1 : i32
          %add3A_158 = arith.addi %sub3A_149, %add3A_157 : i32
          %select_n3A_159 = arith.select %lt3A, %add3A_158, %scan3A_143 : i32
          scf.yield %select_n3A_159 : i32
        }
        %scan3A_138 = arith.constant 23 : i32
        %broadcast_in_dim3A_139 = vector.broadcast %scan3A_137 : i32 to vector<16xi32>
        %swap3A_140 = arith.constant 0 : index
        %swap3A_141 = tpu.vector_load %arg15[%swap3A_140] {strides = array<i32>} : memref<16xi32, #tpu.memory_space<vmem>>, vector<16xi32>,
        tpu.vector_store %arg15[%swap3A_140], %broadcast_in_dim3A_139 {strides = array<i32>} : memref<16xi32, #tpu.memory_space<vmem>>, vector<16xi32>,
        "tpu.region"() ({
          %run_scoped3A = tpu.sem_alloc : memref<!tpu.dma_semaphore, #tpu.memory_space<semaphore_mem>>
          tpu.enqueue_dma source(%arg15 : memref<16xi32, #tpu.memory_space<vmem>>) target(%arg24 : memref<16xi32, #tpu.memory_space<vmem_shared>>) target_semaphore(%run_scoped3A : memref<!tpu.dma_semaphore, #tpu.memory_space<semaphore_mem>>)
          tpu.wait_dma2 semaphore(%run_scoped3A : memref<!tpu.dma_semaphore, #tpu.memory_space<semaphore_mem>>) src(%arg15 : memref<16xi32, #tpu.memory_space<vmem>>) dst(%arg24 : memref<16xi32, #tpu.memory_space<vmem_shared>>)
          tpu.yield
        }) : () -> ()
      } else {
      }
    } else {
    }
    %barrier3A_86 = arith.constant 0 : index
    tpu.barrier barrier_id(%barrier3A_86)
    %not3A_87 = arith.constant true
    %not3A_88 = arith.xori %le3A_79, %not3A_87 : i1
    %convert_element_type3A_89 = arith.extui %not3A_88 : i1 to i32
    %cond3A_90 = arith.constant 0 : i32
    %cond3A_91 = arith.cmpi ne, %convert_element_type3A_89, %cond3A_90 : i32
    scf.if %cond3A_91 {
      "tpu.region"() ({
        %run_scoped3A = tpu.sem_alloc : memref<!tpu.dma_semaphore, #tpu.memory_space<semaphore_mem>>
        tpu.enqueue_dma source(%arg24 : memref<16xi32, #tpu.memory_space<vmem_shared>>) target(%arg17 : memref<16xi32, #tpu.memory_space<vmem>>) target_semaphore(%run_scoped3A : memref<!tpu.dma_semaphore, #tpu.memory_space<semaphore_mem>>)
        tpu.wait_dma2 semaphore(%run_scoped3A : memref<!tpu.dma_semaphore, #tpu.memory_space<semaphore_mem>>) src(%arg24 : memref<16xi32, #tpu.memory_space<vmem_shared>>) dst(%arg17 : memref<16xi32, #tpu.memory_space<vmem>>)
        tpu.yield
      }) : () -> ()
    } else {
    }
    %get3A_92 = arith.constant 0 : index
    %get3A_93 = tpu.vector_load %arg17[%get3A_92] {strides = array<i32>} : memref<16xi32, #tpu.memory_space<vmem>>, vector<16xi32>,
    %reduce_max3A = arith.constant true
    %reduce_max3A_94 = vector.broadcast %reduce_max3A : i1 to vector<16xi1>
    %reduce_max3A_95 = arith.constant -2147483648 : i32
    %reduce_max3A_96 = vector.broadcast %reduce_max3A_95 : i32 to vector<16xi32>
    %reduce_max3A_97 = arith.xori %get3A_93, %reduce_max3A_96 : vector<16xi32>
    %reduce_max3A_98 = tpu.scan <max>, %reduce_max3A_97 masked %reduce_max3A_94 : vector<16xi32>, vector<16xi1> -> vector<16xi32>
    %reduce_max3A_99 = arith.xori %reduce_max3A_98, %reduce_max3A_96 : vector<16xi32>
    %reduce_max3A_100 = vector.extract %reduce_max3A_99[15] : i32 from vector<16xi32>
    %ge3A = arith.constant 1.000000e+05 : f32
    %ge3A_101 = arith.cmpf oge, %reduce_sum3A_8, %ge3A : f32
    %broadcast_in_dim3A_102 = arith.constant -1 : i32
    %broadcast_in_dim3A_103 = vector.broadcast %broadcast_in_dim3A_102 : i32 to vector<16xi32>
    %broadcast_in_dim3A_104 = vector.broadcast %reduce_max3A_100 : i32 to vector<16xi32>
    %select_n3A_105 = arith.select %ge3A_101, %broadcast_in_dim3A_103, %broadcast_in_dim3A_104 : vector<16xi32>
    %gt3A = arith.constant 16384 : i32
    %gt3A_106 = arith.cmpi sgt, %scan3A_64, %gt3A : i32
    %min3A = arith.constant 16384 : i32
    %min3A_107 = arith.minsi %scan3A_64, %min3A : i32
    %add3A_108 = arith.constant 15 : i32
    %add3A_109 = arith.addi %min3A_107, %add3A_108 : i32
    %shift_right_arithmetic3A = arith.constant 4 : i32
    %shift_right_arithmetic3A_110 = arith.shrsi %add3A_109, %shift_right_arithmetic3A : i32
    %not3A_111 = arith.constant true
    %not3A_112 = arith.xori %gt3A_106, %not3A_111 : i1
    %convert_element_type3A_113 = arith.extui %not3A_112 : i1 to i32
    %cond3A_114 = arith.constant 0 : i32
    %cond3A_115 = arith.cmpi ne, %convert_element_type3A_113, %cond3A_114 : i32
    scf.if %cond3A_115 {
      %while3A = arith.constant 0 : i32
      %while3A_127 = arith.subi %shift_right_arithmetic3A_110, %while3A : i32
      %while3A_128 = arith.addi %while3A, %while3A_127 : i32
      %while3A_129 = arith.constant 1 : i32
      %while3A_130 = arith.divsi %while3A_127, %while3A_129 : i32
      %while3A_131 = arith.muli %while3A_130, %while3A_129 : i32
      %while3A_132 = arith.addi %while3A, %while3A_131 : i32
      %while3A_133 = arith.constant 1 : i32
      %while3A_134:2 = scf.for %while3A_141 = %while3A to %while3A_132 step %while3A_133 iter_args(%while3A_142 = %broadcast_in_dim3A_1, %while3A_143 = %broadcast_in_dim3A_1) -> (vector<16xf32>, vector<16xf32>)  : i32 {
        %mul3A_144 = arith.constant 16 : i32
        %mul3A_145 = arith.muli %while3A_141, %mul3A_144 : i32
        %sub3A_146 = arith.subi %scan3A_64, %mul3A_145 : i32
        %lt3A = vector.broadcast %sub3A_146 : i32 to vector<16xi32>
        %lt3A_147 = arith.cmpi slt, %iota3A, %lt3A : vector<16xi32>
        %mul3A_148 = arith.constant 16 : i32
        %mul3A_149 = arith.muli %while3A_141, %mul3A_148 : i32
        %get3A_150 = arith.index_cast %mul3A_149 : i32 to index
        %get3A_151 = tpu.vector_load %arg11[%get3A_150] {strides = array<i32>} : memref<16400xi32, #tpu.memory_space<vmem>>, vector<16xi32>,
        %mul3A_152 = arith.constant 16 : i32
        %mul3A_153 = arith.muli %while3A_141, %mul3A_152 : i32
        %get3A_154 = arith.index_cast %mul3A_153 : i32 to index
        %get3A_155 = tpu.vector_load %arg12[%get3A_154] {strides = array<i32>} : memref<16400xf32, #tpu.memory_space<vmem>>, vector<16xf32>,
        %le3A_156 = arith.cmpi sle, %get3A_151, %select_n3A_105 : vector<16xi32>
        %and3A = arith.andi %lt3A_147, %le3A_156 : vector<16xi1>
        %jit3A_157 = arith.constant 1.000000e+00 : f32
        %jit3A_158 = arith.constant 0.000000e+00 : f32
        %broadcast_in_dim3A_159 = vector.broadcast %jit3A_157 : f32 to vector<16xf32>
        %broadcast_in_dim3A_160 = vector.broadcast %jit3A_158 : f32 to vector<16xf32>
        %select_n3A_161 = arith.select %and3A, %broadcast_in_dim3A_159, %broadcast_in_dim3A_160 : vector<16xi1>, vector<16xf32>
        %add3A_162 = arith.addf %while3A_142, %select_n3A_161 : vector<16xf32>
        %jit3A_163 = arith.constant 0.000000e+00 : f32
        %broadcast_in_dim3A_164 = vector.broadcast %jit3A_163 : f32 to vector<16xf32>
        %select_n3A_165 = arith.select %and3A, %get3A_155, %broadcast_in_dim3A_164 : vector<16xi1>, vector<16xf32>
        %add3A_166 = arith.addf %while3A_143, %select_n3A_165 : vector<16xf32>
        scf.yield %add3A_162, %add3A_166 : vector<16xf32>, vector<16xf32>
      }
      %while3A_135 = arith.constant 1 : i32
      %while3A_136:2 = scf.for %while3A_141 = %while3A_132 to %while3A_128 step %while3A_135 iter_args(%while3A_142 = %while3A_134#0, %while3A_143 = %while3A_134#1) -> (vector<16xf32>, vector<16xf32>)  : i32 {
        %mul3A_144 = arith.constant 16 : i32
        %mul3A_145 = arith.muli %while3A_141, %mul3A_144 : i32
        %sub3A_146 = arith.subi %scan3A_64, %mul3A_145 : i32
        %lt3A = vector.broadcast %sub3A_146 : i32 to vector<16xi32>
        %lt3A_147 = arith.cmpi slt, %iota3A, %lt3A : vector<16xi32>
        %mul3A_148 = arith.constant 16 : i32
        %mul3A_149 = arith.muli %while3A_141, %mul3A_148 : i32
        %get3A_150 = arith.index_cast %mul3A_149 : i32 to index
        %get3A_151 = tpu.vector_load %arg11[%get3A_150] {strides = array<i32>} : memref<16400xi32, #tpu.memory_space<vmem>>, vector<16xi32>,
        %mul3A_152 = arith.constant 16 : i32
        %mul3A_153 = arith.muli %while3A_141, %mul3A_152 : i32
        %get3A_154 = arith.index_cast %mul3A_153 : i32 to index
        %get3A_155 = tpu.vector_load %arg12[%get3A_154] {strides = array<i32>} : memref<16400xf32, #tpu.memory_space<vmem>>, vector<16xf32>,
        %le3A_156 = arith.cmpi sle, %get3A_151, %select_n3A_105 : vector<16xi32>
        %and3A = arith.andi %lt3A_147, %le3A_156 : vector<16xi1>
        %jit3A_157 = arith.constant 1.000000e+00 : f32
        %jit3A_158 = arith.constant 0.000000e+00 : f32
        %broadcast_in_dim3A_159 = vector.broadcast %jit3A_157 : f32 to vector<16xf32>
        %broadcast_in_dim3A_160 = vector.broadcast %jit3A_158 : f32 to vector<16xf32>
        %select_n3A_161 = arith.select %and3A, %broadcast_in_dim3A_159, %broadcast_in_dim3A_160 : vector<16xi1>, vector<16xf32>
        %add3A_162 = arith.addf %while3A_142, %select_n3A_161 : vector<16xf32>
        %jit3A_163 = arith.constant 0.000000e+00 : f32
        %broadcast_in_dim3A_164 = vector.broadcast %jit3A_163 : f32 to vector<16xf32>
        %select_n3A_165 = arith.select %and3A, %get3A_155, %broadcast_in_dim3A_164 : vector<16xi1>, vector<16xf32>
        %add3A_166 = arith.addf %while3A_143, %select_n3A_165 : vector<16xf32>
        scf.yield %add3A_162, %add3A_166 : vector<16xf32>, vector<16xf32>
      }
      %swap3A_137 = arith.constant 0 : index
      %swap3A_138 = tpu.vector_load %arg18[%swap3A_137] {strides = array<i32>} : memref<48xf32, #tpu.memory_space<vmem>>, vector<16xf32>,
      tpu.vector_store %arg18[%swap3A_137], %while3A_136#0 {strides = array<i32>} : memref<48xf32, #tpu.memory_space<vmem>>, vector<16xf32>,
      %swap3A_139 = arith.constant 16 : index
      %swap3A_140 = tpu.vector_load %arg18[%swap3A_139] {strides = array<i32>} : memref<48xf32, #tpu.memory_space<vmem>>, vector<16xf32>,
      tpu.vector_store %arg18[%swap3A_139], %while3A_136#1 {strides = array<i32>} : memref<48xf32, #tpu.memory_space<vmem>>, vector<16xf32>,
    } else {
    }
    %convert_element_type3A_116 = arith.extui %gt3A_106 : i1 to i32
    %cond3A_117 = arith.constant 0 : i32
    %cond3A_118 = arith.cmpi ne, %convert_element_type3A_116, %cond3A_117 : i32
    scf.if %cond3A_118 {
      %scan3A_127 = arith.constant 0 : i32
      %scan3A_128 = arith.constant 16 : i32
      %scan3A_129 = arith.addi %scan3A_127, %scan3A_128 : i32
      %scan3A_130 = arith.constant 1 : i32
      %scan3A_131:2 = scf.for %scan3A_137 = %scan3A_127 to %scan3A_129 step %scan3A_130 iter_args(%scan3A_138 = %broadcast_in_dim3A_1, %scan3A_139 = %broadcast_in_dim3A_1) -> (vector<16xf32>, vector<16xf32>)  : i32 {
        %mul3A_140 = arith.constant 8192 : i32
        %mul3A_141 = arith.muli %scan3A_137, %mul3A_140 : i32
        %add3A_142 = arith.addi %mul3A_0, %mul3A_141 : i32
        "tpu.region"() ({
          %run_scoped3A = tpu.sem_alloc : memref<!tpu.dma_semaphore, #tpu.memory_space<semaphore_mem>>
          %dma_start3A_152 = tpu.memref_slice %arg2[%add3A_142] : memref<2097152xi32, #tpu.memory_space<hbm>> -> memref<8192xi32, #tpu.memory_space<hbm>>
          %dma_start3A_153 = tpu.memref_slice %arg2[%add3A_142] : memref<2097152xi32, #tpu.memory_space<hbm>> -> memref<8192xi32, #tpu.memory_space<hbm>>
          tpu.enqueue_dma source(%dma_start3A_153 : memref<8192xi32, #tpu.memory_space<hbm>>) target(%arg7 : memref<8192xi32, #tpu.memory_space<vmem>>) target_semaphore(%run_scoped3A : memref<!tpu.dma_semaphore, #tpu.memory_space<semaphore_mem>>)
          %dma_wait3A = tpu.memref_slice %arg2[%add3A_142] : memref<2097152xi32, #tpu.memory_space<hbm>> -> memref<8192xi32, #tpu.memory_space<hbm>>
          %dma_wait3A_154 = tpu.memref_slice %arg2[%add3A_142] : memref<2097152xi32, #tpu.memory_space<hbm>> -> memref<8192xi32, #tpu.memory_space<hbm>>
          tpu.wait_dma2 semaphore(%run_scoped3A : memref<!tpu.dma_semaphore, #tpu.memory_space<semaphore_mem>>) src(%dma_wait3A_154 : memref<8192xi32, #tpu.memory_space<hbm>>) dst(%arg7 : memref<8192xi32, #tpu.memory_space<vmem>>)
          tpu.yield
        }) : () -> ()
        %mul3A_143 = arith.constant 8192 : i32
        %mul3A_144 = arith.muli %scan3A_137, %mul3A_143 : i32
        %add3A_145 = arith.addi %mul3A_0, %mul3A_144 : i32
        "tpu.region"() ({
          %run_scoped3A = tpu.sem_alloc : memref<!tpu.dma_semaphore, #tpu.memory_space<semaphore_mem>>
          %dma_start3A_152 = tpu.memref_slice %arg3[%add3A_145] : memref<2097152xf32, #tpu.memory_space<hbm>> -> memref<8192xf32, #tpu.memory_space<hbm>>
          %dma_start3A_153 = tpu.memref_slice %arg3[%add3A_145] : memref<2097152xf32, #tpu.memory_space<hbm>> -> memref<8192xf32, #tpu.memory_space<hbm>>
          tpu.enqueue_dma source(%dma_start3A_153 : memref<8192xf32, #tpu.memory_space<hbm>>) target(%arg8 : memref<8192xf32, #tpu.memory_space<vmem>>) target_semaphore(%run_scoped3A : memref<!tpu.dma_semaphore, #tpu.memory_space<semaphore_mem>>)
          %dma_wait3A = tpu.memref_slice %arg3[%add3A_145] : memref<2097152xf32, #tpu.memory_space<hbm>> -> memref<8192xf32, #tpu.memory_space<hbm>>
          %dma_wait3A_154 = tpu.memref_slice %arg3[%add3A_145] : memref<2097152xf32, #tpu.memory_space<hbm>> -> memref<8192xf32, #tpu.memory_space<hbm>>
          tpu.wait_dma2 semaphore(%run_scoped3A : memref<!tpu.dma_semaphore, #tpu.memory_space<semaphore_mem>>) src(%dma_wait3A_154 : memref<8192xf32, #tpu.memory_space<hbm>>) dst(%arg8 : memref<8192xf32, #tpu.memory_space<vmem>>)
          tpu.yield
        }) : () -> ()
        %scan3A_146 = arith.constant 0 : i32
        %scan3A_147 = arith.constant 512 : i32
        %scan3A_148 = arith.addi %scan3A_146, %scan3A_147 : i32
        %scan3A_149 = arith.constant 1 : i32
        %scan3A_150:2 = scf.for %scan3A_152 = %scan3A_146 to %scan3A_148 step %scan3A_149 iter_args(%scan3A_153 = %scan3A_138, %scan3A_154 = %scan3A_139) -> (vector<16xf32>, vector<16xf32>)  : i32 {
          %mul3A_155 = arith.constant 16 : i32
          %mul3A_156 = arith.muli %scan3A_152, %mul3A_155 : i32
          %get3A_157 = arith.index_cast %mul3A_156 : i32 to index
          %get3A_158 = tpu.vector_load %arg7[%get3A_157] {strides = array<i32>} : memref<8192xi32, #tpu.memory_space<vmem>>, vector<16xi32>,
          %mul3A_159 = arith.constant 16 : i32
          %mul3A_160 = arith.muli %scan3A_152, %mul3A_159 : i32
          %get3A_161 = arith.index_cast %mul3A_160 : i32 to index
          %get3A_162 = tpu.vector_load %arg8[%get3A_161] {strides = array<i32>} : memref<8192xf32, #tpu.memory_space<vmem>>, vector<16xf32>,
          %ge3A_163 = arith.constant 0 : i32
          %ge3A_164 = vector.broadcast %ge3A_163 : i32 to vector<16xi32>
          %ge3A_165 = arith.cmpi sge, %get3A_158, %ge3A_164 : vector<16xi32>
          %le3A_166 = arith.cmpi sle, %get3A_158, %select_n3A_105 : vector<16xi32>
          %and3A = arith.andi %ge3A_165, %le3A_166 : vector<16xi1>
          %jit3A_167 = arith.constant 1.000000e+00 : f32
          %jit3A_168 = arith.constant 0.000000e+00 : f32
          %broadcast_in_dim3A_169 = vector.broadcast %jit3A_167 : f32 to vector<16xf32>
          %broadcast_in_dim3A_170 = vector.broadcast %jit3A_168 : f32 to vector<16xf32>
          %select_n3A_171 = arith.select %and3A, %broadcast_in_dim3A_169, %broadcast_in_dim3A_170 : vector<16xi1>, vector<16xf32>
          %add3A_172 = arith.addf %scan3A_153, %select_n3A_171 : vector<16xf32>
          %jit3A_173 = arith.constant 0.000000e+00 : f32
          %broadcast_in_dim3A_174 = vector.broadcast %jit3A_173 : f32 to vector<16xf32>
          %select_n3A_175 = arith.select %and3A, %get3A_162, %broadcast_in_dim3A_174 : vector<16xi1>, vector<16xf32>
          %add3A_176 = arith.addf %scan3A_154, %select_n3A_175 : vector<16xf32>
          scf.yield %add3A_172, %add3A_176 : vector<16xf32>, vector<16xf32>
        }
        %scan3A_151 = arith.constant 512 : i32
        scf.yield %scan3A_150#0, %scan3A_150#1 : vector<16xf32>, vector<16xf32>
      }
      %scan3A_132 = arith.constant 16 : i32
      %swap3A_133 = arith.constant 0 : index
      %swap3A_134 = tpu.vector_load %arg18[%swap3A_133] {strides = array<i32>} : memref<48xf32, #tpu.memory_space<vmem>>, vector<16xf32>,
      tpu.vector_store %arg18[%swap3A_133], %scan3A_131#0 {strides = array<i32>} : memref<48xf32, #tpu.memory_space<vmem>>, vector<16xf32>,
      %swap3A_135 = arith.constant 16 : index
      %swap3A_136 = tpu.vector_load %arg18[%swap3A_135] {strides = array<i32>} : memref<48xf32, #tpu.memory_space<vmem>>, vector<16xf32>,
      tpu.vector_store %arg18[%swap3A_135], %scan3A_131#1 {strides = array<i32>} : memref<48xf32, #tpu.memory_space<vmem>>, vector<16xf32>,
    } else {
    }
    %mul3A_119 = arith.constant 48 : i32
    %mul3A_120 = arith.muli %arg1, %mul3A_119 : i32
    "tpu.region"() ({
      %run_scoped3A = tpu.sem_alloc : memref<!tpu.dma_semaphore, #tpu.memory_space<semaphore_mem>>
      %dma_start3A_127 = tpu.memref_slice %arg25[%mul3A_120] : memref<768xf32, #tpu.memory_space<vmem_shared>> -> memref<48xf32, #tpu.memory_space<vmem_shared>>
      %dma_start3A_128 = tpu.memref_slice %arg25[%mul3A_120] : memref<768xf32, #tpu.memory_space<vmem_shared>> -> memref<48xf32, #tpu.memory_space<vmem_shared>>
      tpu.enqueue_dma source(%arg18 : memref<48xf32, #tpu.memory_space<vmem>>) target(%dma_start3A_128 : memref<48xf32, #tpu.memory_space<vmem_shared>>) target_semaphore(%run_scoped3A : memref<!tpu.dma_semaphore, #tpu.memory_space<semaphore_mem>>)
      %dma_wait3A = tpu.memref_slice %arg25[%mul3A_120] : memref<768xf32, #tpu.memory_space<vmem_shared>> -> memref<48xf32, #tpu.memory_space<vmem_shared>>
      %dma_wait3A_129 = tpu.memref_slice %arg25[%mul3A_120] : memref<768xf32, #tpu.memory_space<vmem_shared>> -> memref<48xf32, #tpu.memory_space<vmem_shared>>
      tpu.wait_dma2 semaphore(%run_scoped3A : memref<!tpu.dma_semaphore, #tpu.memory_space<semaphore_mem>>) src(%arg18 : memref<48xf32, #tpu.memory_space<vmem>>) dst(%dma_wait3A_129 : memref<48xf32, #tpu.memory_space<vmem_shared>>)
      tpu.yield
    }) : () -> ()
    %barrier3A_121 = arith.constant 0 : index
    tpu.barrier barrier_id(%barrier3A_121)
    %eq3A_122 = arith.constant 0 : i32
    %eq3A_123 = arith.cmpi eq, %arg1, %eq3A_122 : i32
    %convert_element_type3A_124 = arith.extui %eq3A_123 : i1 to i32
    %cond3A_125 = arith.constant 0 : i32
    %cond3A_126 = arith.cmpi ne, %convert_element_type3A_124, %cond3A_125 : i32
    scf.if %cond3A_126 {
      "tpu.region"() ({
        %run_scoped3A = tpu.sem_alloc : memref<!tpu.dma_semaphore, #tpu.memory_space<semaphore_mem>>
        tpu.enqueue_dma source(%arg25 : memref<768xf32, #tpu.memory_space<vmem_shared>>) target(%arg19 : memref<768xf32, #tpu.memory_space<vmem>>) target_semaphore(%run_scoped3A : memref<!tpu.dma_semaphore, #tpu.memory_space<semaphore_mem>>)
        tpu.wait_dma2 semaphore(%run_scoped3A : memref<!tpu.dma_semaphore, #tpu.memory_space<semaphore_mem>>) src(%arg25 : memref<768xf32, #tpu.memory_space<vmem_shared>>) dst(%arg19 : memref<768xf32, #tpu.memory_space<vmem>>)
        tpu.yield
      }) : () -> ()
      %scan3A_127 = arith.constant 0 : i32
      %scan3A_128 = arith.constant 16 : i32
      %scan3A_129 = arith.addi %scan3A_127, %scan3A_128 : i32
      %scan3A_130 = arith.constant 1 : i32
      %scan3A_131:2 = scf.for %scan3A_156 = %scan3A_127 to %scan3A_129 step %scan3A_130 iter_args(%scan3A_157 = %broadcast_in_dim3A_1, %scan3A_158 = %broadcast_in_dim3A_1) -> (vector<16xf32>, vector<16xf32>)  : i32 {
        %mul3A_159 = arith.constant 48 : i32
        %mul3A_160 = arith.muli %scan3A_156, %mul3A_159 : i32
        %get3A_161 = arith.index_cast %mul3A_160 : i32 to index
        %get3A_162 = tpu.vector_load %arg19[%get3A_161] {strides = array<i32>} : memref<768xf32, #tpu.memory_space<vmem>>, vector<16xf32>,
        %add3A_163 = arith.addf %scan3A_157, %get3A_162 : vector<16xf32>
        %mul3A_164 = arith.constant 48 : i32
        %mul3A_165 = arith.muli %scan3A_156, %mul3A_164 : i32
        %add3A_166 = arith.constant 16 : i32
        %add3A_167 = arith.addi %mul3A_165, %add3A_166 : i32
        %get3A_168 = arith.index_cast %add3A_167 : i32 to index
        %get3A_169 = tpu.vector_load %arg19[%get3A_168] {strides = array<i32>} : memref<768xf32, #tpu.memory_space<vmem>>, vector<16xf32>,
        %add3A_170 = arith.addf %scan3A_158, %get3A_169 : vector<16xf32>
        scf.yield %add3A_163, %add3A_170 : vector<16xf32>, vector<16xf32>
      }
      %scan3A_132 = arith.constant 16 : i32
      %reduce_sum3A_133 = arith.constant true
      %reduce_sum3A_134 = vector.broadcast %reduce_sum3A_133 : i1 to vector<16xi1>
      %reduce_sum3A_135 = tpu.scan <sum>, %scan3A_131#1 masked %reduce_sum3A_134 : vector<16xf32>, vector<16xi1> -> vector<16xf32>
      %reduce_sum3A_136 = vector.extract %reduce_sum3A_135[15] : f32 from vector<16xf32>
      %add3A_137 = arith.addf %reduce_sum3A_18, %reduce_sum3A_136 : f32
      %broadcast_in_dim3A_138 = vector.broadcast %add3A_137 : f32 to vector<16xf32>
      %reduce_sum3A_139 = arith.constant true
      %reduce_sum3A_140 = vector.broadcast %reduce_sum3A_139 : i1 to vector<16xi1>
      %reduce_sum3A_141 = tpu.scan <sum>, %scan3A_131#0 masked %reduce_sum3A_140 : vector<16xf32>, vector<16xi1> -> vector<16xf32>
      %reduce_sum3A_142 = vector.extract %reduce_sum3A_141[15] : f32 from vector<16xf32>
      %add3A_143 = arith.addf %reduce_sum3A_8, %reduce_sum3A_142 : f32
      %broadcast_in_dim3A_144 = vector.broadcast %add3A_143 : f32 to vector<16xf32>
      %max3A_145 = arith.constant 1.000000e+00 : f32
      %max3A_146 = vector.broadcast %max3A_145 : f32 to vector<16xf32>
      %max3A_147 = arith.maximumf %broadcast_in_dim3A_144, %max3A_146 : vector<16xf32>
      %div3A = arith.divf %broadcast_in_dim3A_138, %max3A_147 : vector<16xf32>
      %mul3A_148 = arith.constant 4.76837158E-7 : f32
      %mul3A_149 = arith.mulf %reduce_sum3A_28, %mul3A_148 : f32
      %broadcast_in_dim3A_150 = vector.broadcast %mul3A_149 : f32 to vector<16xf32>
      %gt3A_151 = arith.constant 0 : i32
      %gt3A_152 = arith.cmpi sgt, %reduce_sum3A_40, %gt3A_151 : i32
      %select_n3A_153 = arith.select %gt3A_152, %div3A, %broadcast_in_dim3A_150 : vector<16xf32>
      %swap3A_154 = arith.constant 0 : index
      %swap3A_155 = tpu.vector_load %arg14[%swap3A_154] {strides = array<i32>} : memref<16xf32, #tpu.memory_space<vmem>>, vector<16xf32>,
      tpu.vector_store %arg14[%swap3A_154], %select_n3A_153 {strides = array<i32>} : memref<16xf32, #tpu.memory_space<vmem>>, vector<16xf32>,
      "tpu.region"() ({
        %run_scoped3A = tpu.sem_alloc : memref<!tpu.dma_semaphore, #tpu.memory_space<semaphore_mem>>
        tpu.enqueue_dma source(%arg14 : memref<16xf32, #tpu.memory_space<vmem>>) target(%arg6 : memref<16xf32, #tpu.memory_space<hbm>>) target_semaphore(%run_scoped3A : memref<!tpu.dma_semaphore, #tpu.memory_space<semaphore_mem>>)
        tpu.wait_dma2 semaphore(%run_scoped3A : memref<!tpu.dma_semaphore, #tpu.memory_space<semaphore_mem>>) src(%arg14 : memref<16xf32, #tpu.memory_space<vmem>>) dst(%arg6 : memref<16xf32, #tpu.memory_space<hbm>>)
        tpu.yield
      }) : () -> ()
    } else {
    }
    return
  }
}

module attributes {stable_mosaic.version = 14 : i64} {
  func.func @_ce_stats_body(%arg0: i32, %arg1: i32, %arg2: memref<1x19x512x128xf32, #tpu.memory_space<vmem>>, %arg3: memref<1x512x128xi32, #tpu.memory_space<vmem>>, %arg4: memref<1x1x512x128xi32, #tpu.memory_space<vmem>>, %arg5: memref<1x1x512x128xf32, #tpu.memory_space<vmem>>, %arg6: memref<1x128xf32, #tpu.memory_space<vmem>>) attributes {dimension_semantics = [#tpu.dimension_semantics<arbitrary>, #tpu.dimension_semantics<arbitrary>], iteration_bounds = array<i64: 8, 4>, scalar_prefetch = 0 : i64, scratch_operands = 0 : i64, tpu.core_type = #tpu.core_type<tc>, window_params = [{transform_indices = @transform_0, window_bounds = array<i64: 1, 19, 512, 128>}, {transform_indices = @transform_1, window_bounds = array<i64: 1, 512, 128>}, {transform_indices = @transform_2, window_bounds = array<i64: 1, 1, 512, 128>}, {transform_indices = @transform_3, window_bounds = array<i64: 1, 1, 512, 128>}, {pipeline_mode = #tpu.pipeline_mode<synchronous>, transform_indices = @transform_4, window_bounds = array<i64: 1, 128>}]} {
    %get3A = arith.constant 0 : index
    %get3A_0 = arith.constant 0 : index
    %get3A_1 = arith.constant 0 : index
    %get3A_2 = arith.constant 0 : index
    %get3A_3 = vector.load %arg2[%get3A, %get3A_0, %get3A_1, %get3A_2] : memref<1x19x512x128xf32, #tpu.memory_space<vmem>>, vector<1x19x512x128xf32>
    %get3A_4 = vector.shape_cast %get3A_3 : vector<1x19x512x128xf32> to vector<19x512x128xf32>
    %get3A_5 = arith.constant 0 : index
    %get3A_6 = arith.constant 0 : index
    %get3A_7 = arith.constant 0 : index
    %get3A_8 = vector.load %arg3[%get3A_5, %get3A_6, %get3A_7] : memref<1x512x128xi32, #tpu.memory_space<vmem>>, vector<1x512x128xi32>
    %get3A_9 = vector.shape_cast %get3A_8 : vector<1x512x128xi32> to vector<512x128xi32>
    %reduce_max3A = arith.constant dense<0xFF800000> : vector<512x128xf32>
    %reduce_max3A_10 = vector.multi_reduction <maximumf>, %get3A_4, %reduce_max3A [0] : vector<19x512x128xf32> to vector<512x128xf32>
    %iota3A = tpu.iota {dimensions = array<i32: 0>} : vector<19x512x128xi32>
    %broadcast_in_dim3A = vector.shape_cast %get3A_9 : vector<512x128xi32> to vector<1x512x128xi32>
    %eq3A = vector.broadcast %broadcast_in_dim3A : vector<1x512x128xi32> to vector<19x512x128xi32>
    %eq3A_11 = arith.cmpi eq, %iota3A, %eq3A : vector<19x512x128xi32>
    %jit3A = arith.constant 0.000000e+00 : f32
    %broadcast_in_dim3A_12 = vector.broadcast %jit3A : f32 to vector<19x512x128xf32>
    %select_n3A = arith.select %eq3A_11, %get3A_4, %broadcast_in_dim3A_12 : vector<19x512x128xi1>, vector<19x512x128xf32>
    %reduce_sum3A = arith.constant dense<0.000000e+00> : vector<512x128xf32>
    %reduce_sum3A_13 = vector.multi_reduction <add>, %select_n3A, %reduce_sum3A [0] : vector<19x512x128xf32> to vector<512x128xf32>
    %broadcast_in_dim3A_14 = vector.shape_cast %reduce_max3A_10 : vector<512x128xf32> to vector<1x512x128xf32>
    %sub3A = vector.broadcast %broadcast_in_dim3A_14 : vector<1x512x128xf32> to vector<19x512x128xf32>
    %sub3A_15 = arith.subf %get3A_4, %sub3A : vector<19x512x128xf32>
    %exp3A = math.exp %sub3A_15 : vector<19x512x128xf32>
    %reduce_sum3A_16 = arith.constant dense<0.000000e+00> : vector<512x128xf32>
    %reduce_sum3A_17 = vector.multi_reduction <add>, %exp3A, %reduce_sum3A_16 [0] : vector<19x512x128xf32> to vector<512x128xf32>
    %sub3A_18 = arith.subf %reduce_sum3A_13, %reduce_max3A_10 : vector<512x128xf32>
    %exp3A_19 = math.exp %sub3A_18 : vector<512x128xf32>
    %div3A = arith.divf %exp3A_19, %reduce_sum3A_17 : vector<512x128xf32>
    %bitcast_convert_type3A = tpu.bitcast %div3A : vector<512x128xf32> -> vector<512x128xi32>
    %sub3A_20 = arith.constant 1058642331 : i32
    %sub3A_21 = vector.broadcast %sub3A_20 : i32 to vector<512x128xi32>
    %sub3A_22 = arith.subi %bitcast_convert_type3A, %sub3A_21 : vector<512x128xi32>
    %log3A = math.log %reduce_sum3A_17 : vector<512x128xf32>
    %sub3A_23 = arith.subf %reduce_max3A_10, %reduce_sum3A_13 : vector<512x128xf32>
    %add3A = arith.addf %log3A, %sub3A_23 : vector<512x128xf32>
    %swap3A = arith.constant 0 : index
    %swap3A_24 = arith.constant 0 : index
    %swap3A_25 = arith.constant 0 : index
    %swap3A_26 = arith.constant 0 : index
    %swap3A_27 = vector.load %arg4[%swap3A, %swap3A_24, %swap3A_25, %swap3A_26] : memref<1x1x512x128xi32, #tpu.memory_space<vmem>>, vector<1x1x512x128xi32>
    %swap3A_28 = vector.shape_cast %swap3A_27 : vector<1x1x512x128xi32> to vector<512x128xi32>
    %swap3A_29 = vector.shape_cast %sub3A_22 : vector<512x128xi32> to vector<1x1x512x128xi32>
    tpu.vector_store %arg4[%swap3A, %swap3A_24, %swap3A_25, %swap3A_26], %swap3A_29 {strides = array<i32>} : memref<1x1x512x128xi32, #tpu.memory_space<vmem>>, vector<1x1x512x128xi32>,
    %swap3A_30 = arith.constant 0 : index
    %swap3A_31 = arith.constant 0 : index
    %swap3A_32 = arith.constant 0 : index
    %swap3A_33 = arith.constant 0 : index
    %swap3A_34 = vector.load %arg5[%swap3A_30, %swap3A_31, %swap3A_32, %swap3A_33] : memref<1x1x512x128xf32, #tpu.memory_space<vmem>>, vector<1x1x512x128xf32>
    %swap3A_35 = vector.shape_cast %swap3A_34 : vector<1x1x512x128xf32> to vector<512x128xf32>
    %swap3A_36 = vector.shape_cast %add3A : vector<512x128xf32> to vector<1x1x512x128xf32>
    tpu.vector_store %arg5[%swap3A_30, %swap3A_31, %swap3A_32, %swap3A_33], %swap3A_36 {strides = array<i32>} : memref<1x1x512x128xf32, #tpu.memory_space<vmem>>, vector<1x1x512x128xf32>,
    %lt3A = arith.constant 0 : i32
    %lt3A_37 = vector.broadcast %lt3A : i32 to vector<512x128xi32>
    %lt3A_38 = arith.cmpi slt, %sub3A_22, %lt3A_37 : vector<512x128xi32>
    %jit3A_39 = arith.constant 1.000000e+00 : f32
    %jit3A_40 = arith.constant 0.000000e+00 : f32
    %broadcast_in_dim3A_41 = vector.broadcast %jit3A_39 : f32 to vector<512x128xf32>
    %broadcast_in_dim3A_42 = vector.broadcast %jit3A_40 : f32 to vector<512x128xf32>
    %select_n3A_43 = arith.select %lt3A_38, %broadcast_in_dim3A_41, %broadcast_in_dim3A_42 : vector<512x128xi1>, vector<512x128xf32>
    %reduce_sum3A_44 = vector.shape_cast %select_n3A_43 : vector<512x128xf32> to vector<1x512x128xf32>
    %reduce_sum3A_45 = arith.constant dense<0.000000e+00> : vector<1xf32>
    %reduce_sum3A_46 = vector.multi_reduction <add>, %reduce_sum3A_44, %reduce_sum3A_45 [1, 2] : vector<1x512x128xf32> to vector<1xf32>
    %reduce_sum3A_47 = vector.shape_cast %reduce_sum3A_46 : vector<1xf32> to vector<1x1x1xf32>
    %reduce_sum3A_48 = vector.extract %reduce_sum3A_47[0, 0, 0] : f32 from vector<1x1x1xf32>
    %jit3A_49 = arith.constant 0.000000e+00 : f32
    %broadcast_in_dim3A_50 = vector.broadcast %jit3A_49 : f32 to vector<512x128xf32>
    %select_n3A_51 = arith.select %lt3A_38, %add3A, %broadcast_in_dim3A_50 : vector<512x128xi1>, vector<512x128xf32>
    %reduce_sum3A_52 = vector.shape_cast %select_n3A_51 : vector<512x128xf32> to vector<1x512x128xf32>
    %reduce_sum3A_53 = arith.constant dense<0.000000e+00> : vector<1xf32>
    %reduce_sum3A_54 = vector.multi_reduction <add>, %reduce_sum3A_52, %reduce_sum3A_53 [1, 2] : vector<1x512x128xf32> to vector<1xf32>
    %reduce_sum3A_55 = vector.shape_cast %reduce_sum3A_54 : vector<1xf32> to vector<1x1x1xf32>
    %reduce_sum3A_56 = vector.extract %reduce_sum3A_55[0, 0, 0] : f32 from vector<1x1x1xf32>
    %reduce_sum3A_57 = vector.shape_cast %add3A : vector<512x128xf32> to vector<1x512x128xf32>
    %reduce_sum3A_58 = arith.constant dense<0.000000e+00> : vector<1xf32>
    %reduce_sum3A_59 = vector.multi_reduction <add>, %reduce_sum3A_57, %reduce_sum3A_58 [1, 2] : vector<1x512x128xf32> to vector<1xf32>
    %reduce_sum3A_60 = vector.shape_cast %reduce_sum3A_59 : vector<1xf32> to vector<1x1x1xf32>
    %reduce_sum3A_61 = vector.extract %reduce_sum3A_60[0, 0, 0] : f32 from vector<1x1x1xf32>
    %iota3A_62 = tpu.iota {dimensions = array<i32: 1>} : vector<1x128xi32>
    %eq3A_63 = arith.constant 0 : i32
    %eq3A_64 = vector.broadcast %eq3A_63 : i32 to vector<1x128xi32>
    %eq3A_65 = arith.cmpi eq, %iota3A_62, %eq3A_64 : vector<1x128xi32>
    %eq3A_66 = arith.constant 1 : i32
    %eq3A_67 = vector.broadcast %eq3A_66 : i32 to vector<1x128xi32>
    %eq3A_68 = arith.cmpi eq, %iota3A_62, %eq3A_67 : vector<1x128xi32>
    %eq3A_69 = arith.constant 2 : i32
    %eq3A_70 = vector.broadcast %eq3A_69 : i32 to vector<1x128xi32>
    %eq3A_71 = arith.cmpi eq, %iota3A_62, %eq3A_70 : vector<1x128xi32>
    %jit3A_72 = arith.constant 0.000000e+00 : f32
    %broadcast_in_dim3A_73 = vector.broadcast %reduce_sum3A_61 : f32 to vector<1x128xf32>
    %broadcast_in_dim3A_74 = vector.broadcast %jit3A_72 : f32 to vector<1x128xf32>
    %select_n3A_75 = arith.select %eq3A_71, %broadcast_in_dim3A_73, %broadcast_in_dim3A_74 : vector<1x128xi1>, vector<1x128xf32>
    %broadcast_in_dim3A_76 = vector.broadcast %reduce_sum3A_56 : f32 to vector<1x128xf32>
    %select_n3A_77 = arith.select %eq3A_68, %broadcast_in_dim3A_76, %select_n3A_75 : vector<1x128xi1>, vector<1x128xf32>
    %broadcast_in_dim3A_78 = vector.broadcast %reduce_sum3A_48 : f32 to vector<1x128xf32>
    %select_n3A_79 = arith.select %eq3A_65, %broadcast_in_dim3A_78, %select_n3A_77 : vector<1x128xi1>, vector<1x128xf32>
    %eq3A_80 = arith.constant 0 : i32
    %eq3A_81 = arith.cmpi eq, %arg0, %eq3A_80 : i32
    %eq3A_82 = arith.constant 0 : i32
    %eq3A_83 = arith.cmpi eq, %arg1, %eq3A_82 : i32
    %and3A = arith.andi %eq3A_81, %eq3A_83 : i1
    %convert_element_type3A = arith.extui %and3A : i1 to i32
    %cond3A = arith.constant 0 : i32
    %cond3A_84 = arith.cmpi ne, %convert_element_type3A, %cond3A : i32
    scf.if %cond3A_84 {
      %broadcast_in_dim3A_92 = arith.constant 0.000000e+00 : f32
      %broadcast_in_dim3A_93 = vector.broadcast %broadcast_in_dim3A_92 : f32 to vector<1x128xf32>
      %swap3A_94 = arith.constant 0 : index
      %swap3A_95 = arith.constant 0 : index
      %swap3A_96 = vector.load %arg6[%swap3A_94, %swap3A_95] : memref<1x128xf32, #tpu.memory_space<vmem>>, vector<1x128xf32>
      tpu.vector_store %arg6[%swap3A_94, %swap3A_95], %broadcast_in_dim3A_93 {strides = array<i32>} : memref<1x128xf32, #tpu.memory_space<vmem>>, vector<1x128xf32>,
    } else {
    }
    %get3A_85 = arith.constant 0 : index
    %get3A_86 = arith.constant 0 : index
    %get3A_87 = vector.load %arg6[%get3A_85, %get3A_86] : memref<1x128xf32, #tpu.memory_space<vmem>>, vector<1x128xf32>
    %add3A_88 = arith.addf %get3A_87, %select_n3A_79 : vector<1x128xf32>
    %swap3A_89 = arith.constant 0 : index
    %swap3A_90 = arith.constant 0 : index
    %swap3A_91 = vector.load %arg6[%swap3A_89, %swap3A_90] : memref<1x128xf32, #tpu.memory_space<vmem>>, vector<1x128xf32>
    tpu.vector_store %arg6[%swap3A_89, %swap3A_90], %add3A_88 {strides = array<i32>} : memref<1x128xf32, #tpu.memory_space<vmem>>, vector<1x128xf32>,
    return
  }
  func.func @transform_0(%arg0: i32, %arg1: i32) -> (i32, i32, i32, i32) {
    %c0_i32 = arith.constant 0 : i32
    %c0_i32_0 = arith.constant 0 : i32
    %c0_i32_1 = arith.constant 0 : i32
    return %arg0, %c0_i32, %c0_i32_0, %arg1 : i32, i32, i32, i32
  }
  func.func @transform_1(%arg0: i32, %arg1: i32) -> (i32, i32, i32) {
    %c0_i32 = arith.constant 0 : i32
    %c0_i32_0 = arith.constant 0 : i32
    return %arg0, %c0_i32, %arg1 : i32, i32, i32
  }
  func.func @transform_2(%arg0: i32, %arg1: i32) -> (i32, i32, i32, i32) {
    %c0_i32 = arith.constant 0 : i32
    %c0_i32_0 = arith.constant 0 : i32
    %c0_i32_1 = arith.constant 0 : i32
    return %arg0, %arg1, %c0_i32, %c0_i32_0 : i32, i32, i32, i32
  }
  func.func @transform_3(%arg0: i32, %arg1: i32) -> (i32, i32, i32, i32) {
    %c0_i32 = arith.constant 0 : i32
    %c0_i32_0 = arith.constant 0 : i32
    %c0_i32_1 = arith.constant 0 : i32
    return %arg0, %arg1, %c0_i32, %c0_i32_0 : i32, i32, i32, i32
  }
  func.func @transform_4(%arg0: i32, %arg1: i32) -> (i32, i32) {
    %c0_i32 = arith.constant 0 : i32
    %c0_i32_0 = arith.constant 0 : i32
    %c0_i32_1 = arith.constant 0 : i32
    return %c0_i32, %c0_i32_0 : i32, i32
  }
}

</mosaic_0001>

<sc_bundles>
// kernel: kernel.4.cloned.1.call-start
scs
__scs_entry_jumppad:
0x0: {  	(pc) =	sbr.rel $0x88, $3  }
0x1: {  	(tag) =	ssettag $0x0;
	lr =	simm.s32 $0x1  }
0x2: {  	[smem:$0x3F9E] =	sst lr;
	_ =	strace $0xD0000000  }
0x3: {  	_ = 	snop  }
0x4: {  	_ = 	snop  }
0x5: {  	_ = 	snop  }
0x6: {  	_ = 	snop  }
0x7: {  	_ = 	snop  }
__scs_overlays_trampoline_lowered:
0x8: {  	[smem:$0x3FAD] =	sst s0  }
0x9: {  	[smem:$0x3FAE] =	sst s1  }
0xa: {  	[smem:$0x3FAF] =	sst s2  }
0xb: {  	[smem:$0x3FB0] =	sst s3  }
0xc: {  	[smem:$0x3FB1] =	sst s4  }
0xd: {  	[smem:$0x3FB2] =	sst s5  }
0xe: {  	[smem:$0x3FB3] =	sst s6  }
0xf: {  	[smem:$0x3FB4] =	sst s7  }
0x10: {  	[smem:$0x3FB5] =	sst s8  }
0x11: {  	[smem:$0x3FB6] =	sst s9;
	s0 =	simm.s32 @!p0 $0x0  }
0x12: {  	s1 =	sld [smem:$0x3F9C];
	s0 =	simm.s32 @p0 $0x1  }
0x13: {  	[smem:$0x3FB7] =	sst s0;
	s0 =	simm.s32 @!p1 $0x0  }
0x14: {  	s2 =	sld [smem:$0x3F9B];
	s0 =	simm.s32 @p1 $0x1  }
0x15: {  	[smem:$0x3FB8] =	sst s0;
	s0 =	simm.s32 @!p2 $0x0  }
0x16: {  	s3 =	sld [smem:$0x3FDB];
	s0 =	simm.s32 @p2 $0x1  }
0x17: {  	s4 =	simm.s32 $0x1BF5;
	[smem:$0x3FBA] =	sst s0  }
0x18: {  	s0 =	sld [smem:$0x3F9D];
	_ =	swait.ge [sflag:s4], $0x0  }
0x19: {  	s7 =	sld [smem:$0x3F9E]  }
0x1a: {  	s8 =	sadd.s32 $0xFFFFE003, lr  }
0x1b: {  	s9 =	sadd.s32 $0xFFFFFEF7, lr;
	s5 =	simm.s32 $0xFFFFFFFF;
	p2 =	slt.u32 s8, $0xFFFFF086  }
0x1c: {  	p1 =	slt.u32 s9, $0xF7A;
	s5 =	simm.s32 @!p2 $0x0  }
0x1d: {  	s5 =	simm.s32 @p1 $0x1;
	p0 =	seq.s32 s7, s2  }
0x1e: {  	s7 =	smul.u32 @!p0 $0xF7A, s2;
	p2 =	seq.s32 @!p0 s5, $0x0  }
0x1f: {  	s9 =	smul.u32 $0xF7A, s1;
	s8 =	simm.s32 @!p0 $0x1BF5;
	p2 =	por !p2, p0  }
0x20: {  	[sflag:s8] =	ssyncset.s32 @!p0 $0xFFFFF086;
	s6 =	sadd.s32 @!p0 s3, s7;
	s7 =	simm.s32 @!p0 $0x108  }
0x21: {  	s3 =	sadd.s32 s3, s9;
	s6 =	sadd.s32 @!p0 $0x88, s6;
	s7 =	simm.s32 @p2 $0x1082  }
0x22: {  	[simem:s7], [sflag:s8] =	dma.local @!p0 [hbm:s6], $0xF7A  }
0x23: {  	s9 =	sor.u32 $0xD0000000, s2;
	s6 =	simm.s32 $0x108;
	_ =	swait.ge @!p0 [sflag:s8], $0x0  }
0x24: {  	s3 =	sadd.s32 $0x88, s3;
	s6 =	simm.s32 @!p1 $0x1082;
	[sflag:s4] =	ssyncset.s32 $0xFFFFF086  }
0x25: {  	[simem:s6], [sflag:s4] =	dma.local [hbm:s3], $0xF7A  }
0x26: {  	[smem:$0x3F9E] =	sst s1;
	(tag) =	ssettag s2;
	_ =	strace s9  }
0x27: {  	s1 =	sld [smem:$0x3FAE]  }
0x28: {  	s2 =	sld [smem:$0x3FAF]  }
0x29: {  	s4 =	sld [smem:$0x3FB1]  }
0x2a: {  	p0 =	seq.s32 s5, $0x0;
	s5 =	sld [smem:$0x3FB2]  }
0x2b: {  	s6 =	sld [smem:$0x3FB3]  }
0x2c: {  	s7 =	sld [smem:$0x3FB4]  }
0x2d: {  	s3 =	simm.s32 $0x108;
	s8 =	sld [smem:$0x3FB5]  }
0x2e: {  	s3 =	simm.s32 @!p0 $0x1082;
	s9 =	sld [smem:$0x3FB6]  }
0x2f: {  	lr =	sadd.s32 s0, s3;
	s0 =	sld [smem:$0x3FAD]  }
0x30: {  	s3 =	sld [smem:$0x3FB0]  }
0x31: {  	[smem:$0x3FB9] =	sst s10  }
0x32: {  	s10 =	sld [smem:$0x3FB7];
	_ =	sdelay $0x3  }
0x33: {  	p0 =	seq.s32 s10, $0x1;
	s10 =	sld [smem:$0x3FB9];
	_ =	sdelay $0x3  }
0x34: {  	[smem:$0x3FB9] =	sst s10  }
0x35: {  	s10 =	sld [smem:$0x3FB8];
	_ =	sdelay $0x3  }
0x36: {  	p1 =	seq.s32 s10, $0x1;
	s10 =	sld [smem:$0x3FB9];
	_ =	sdelay $0x3  }
0x37: {  	[smem:$0x3FB9] =	sst s10  }
0x38: {  	s10 =	sld [smem:$0x3FBA]  }
0x39: {  	_ = 	snop;
	(pc) =	sbr.ind lr, $3  }
0x3a: {  	_ = 	snop  }
0x3b: {  	_ = 	snop  }
0x3c: {  	p2 =	seq.s32 s10, $0x1;
	s10 =	sld [smem:$0x3FB9]  }
0x3d: {  	_ =	shalt  }
0x3e: {  	_ =	shalt  }
0x3f: {  	_ =	shalt  }
0x40: {  	_ =	shalt  }
0x41: {  	_ =	shalt  }
0x42: {  	_ =	shalt  }
0x43: {  	_ =	shalt  }
0x44: {  	_ =	shalt  }
0x45: {  	_ =	shalt  }
0x46: {  	_ =	shalt  }
0x47: {  	_ =	shalt  }
0x48: {  	_ =	shalt  }
0x49: {  	_ =	shalt  }
0x4a: {  	_ =	shalt  }
0x4b: {  	_ =	shalt  }
0x4c: {  	_ =	shalt  }
0x4d: {  	_ =	shalt  }
0x4e: {  	_ =	shalt  }
0x4f: {  	_ =	shalt  }
0x50: {  	_ =	shalt  }
0x51: {  	_ =	shalt  }
0x52: {  	_ =	shalt  }
0x53: {  	_ =	shalt  }
0x54: {  	_ =	shalt  }
0x55: {  	_ =	shalt  }
0x56: {  	_ =	shalt  }
0x57: {  	_ =	shalt  }
0x58: {  	_ =	shalt  }
0x59: {  	_ =	shalt  }
0x5a: {  	_ =	shalt  }
0x5b: {  	_ =	shalt  }
0x5c: {  	_ =	shalt  }
0x5d: {  	_ =	shalt  }
0x5e: {  	_ =	shalt  }
0x5f: {  	_ =	shalt  }
0x60: {  	_ =	shalt  }
0x61: {  	_ =	shalt  }
0x62: {  	_ =	shalt  }
0x63: {  	_ =	shalt  }
0x64: {  	_ =	shalt  }
0x65: {  	_ =	shalt  }
0x66: {  	_ =	shalt  }
0x67: {  	_ =	shalt  }
0x68: {  	_ =	shalt  }
0x69: {  	_ =	shalt  }
0x6a: {  	_ =	shalt  }
0x6b: {  	_ =	shalt  }
0x6c: {  	_ =	shalt  }
0x6d: {  	_ =	shalt  }
0x6e: {  	_ =	shalt  }
0x6f: {  	_ =	shalt  }
0x70: {  	_ =	shalt  }
0x71: {  	_ =	shalt  }
0x72: {  	_ =	shalt  }
0x73: {  	_ =	shalt  }
0x74: {  	_ =	shalt  }
0x75: {  	_ =	shalt  }
0x76: {  	_ =	shalt  }
0x77: {  	_ =	shalt  }
0x78: {  	_ =	shalt  }
0x79: {  	_ =	shalt  }
0x7a: {  	_ =	shalt  }
0x7b: {  	_ =	shalt  }
0x7c: {  	_ =	shalt  }
0x7d: {  	_ =	shalt  }
0x7e: {  	_ =	shalt  }
0x7f: {  	_ =	shalt  }
0x80: {  	_ =	shalt  }
0x81: {  	_ =	shalt  }
0x82: {  	_ =	shalt  }
0x83: {  	_ =	shalt  }
0x84: {  	_ =	shalt  }
0x85: {  	_ =	shalt  }
0x86: {  	_ =	shalt  }
0x87: {  	_ =	shalt  }
.Lfunc_end0:
.L_simem_size_0:
called_computation_lowered:
.L_overlay_start_0:
0x88: {  	s0 =	sld [smem:$0x3FD9]  }
0x89: {  	s1 =	sld [smem:$0x3FFE];
	_ =	sdelay $0x3  }
0x8a: {  	s0 =	sadd.s32 s1, s0  }
0x8b: {  	[smem:$0x3FC5] =	sst s0  }
0x8c: {  	_ = 	snop  }
0x8d: {  	s0 =	sld [smem:$0x3FD0];
	(tm) =	ssettm $0x1  }
0x8e: {  	s16 =	sld [smem:$0x3FFB];
	_ =	sdelay $0x3  }
0x8f: {  	_ =	strace s16  }
0x90: {  	s1 =	sld [smem:$0x3FFC];
	_ =	sdelay $0x3  }
0x91: {  	_ =	strace s1  }
0x92: {  	s1 =	sld [smem:$0x3FFD];
	_ =	sdelay $0x3  }
0x93: {  	_ =	strace s1  }
0x94: {  	_ =	strace $0x8FFFFFFF  }
0x95: {  	s17 =	sld [smem:$0x3FDB];
	_ =	sdelay $0x1  }
0x96: {  	s2 =	simm.s32 $_scs_section_size  }
0x97: {  	s3 =	simm.s32 $_size__tile_overlayer_lowered;
	s4 =	simm.s32 $_tile_overlayer_lowered  }
0x98: {  	s20 =	simm.s32 $0x1BFF;
	s19 =	sshll.u32 s4, $0x1;
	s1 =	sadd.s32 s2, s17  }
0x99: {  	s5 =	simm.s32 $0x0;
	s18 =	sshll.u32 s3, $0x1;
	s3 =	sadd.s32 s19, s1  }
0x9a: {  	[timem:s5], [sflag:s20] =	dma.local [hbm:s3], s18  }
0x9b: {  	_ =	swait.ge [sflag:s20], s18  }
0x9c: {  	s2 =	ssub.s32 $0x0, s18;
	[sflag:s20] =	ssyncset.done $0x0  }
0x9d: {  	[sflag:s20] =	ssyncadd.s32 s2;
	_ =	sdelay $0x1  }
0x9e: {  	s21 =	simm.s32 $0x1B8B  }
0x9f: {  	_ =	swait.ge [sflag:s21], $0x1  }
0xa0: {  	[sflag:s21] =	ssyncset.done $0x0  }
0xa1: {  	s23 =	simm.s32 $0x1B8E;
	s22 =	sld [smem:$0x3FFE];
	[sflag:s21] =	ssyncadd.s32 $0xFFFFFFFF  }
0xa2: {  	s24 =	simm.s32 $execute0_lowered;
	[smem:$0x3FD2] =	sst s23  }
0xa3: {  	s3 =	sshll.u32 s24, $0x1;
	_ =	strace $0x80000046;
	[dreg:$0x1] =	wrdreg $0xFFFFFFFF  }
0xa4: {  	s25 =	simm.s32 $_size_execute0_lowered;
	s1 =	sadd.s32 s1, s3;
	[dreg:$0x0] =	wrdreg $0x0  }
0xa5: {  	s3 =	sshll.u32 s25, $0x1;
	[dreg:$0x2] =	wrdreg s1  }
0xa6: {  	[dreg:$0x3] =	wrdreg s3  }
0xa7: {  	[dreg:$0x4] =	wrdreg $0xC0  }
0xa8: {  	_ =	task [dreg:s5], $0x5FFFF  }
0xa9: {  	[dreg:$0x1] =	wrdreg $0xFFFFFFFF  }
0xaa: {  	[dreg:$0x0] =	wrdreg $0x60  }
0xab: {  	[dreg:$0x2] =	wrdreg s22  }
0xac: {  	[dreg:$0x3] =	wrdreg s0  }
0xad: {  	[dreg:$0x4] =	wrdreg $0x14B000  }
0xae: {  	[dreg:$0x5] =	wrdreg $0x147000  }
0xaf: {  	[dreg:$0x6] =	wrdreg $0x14B100  }
0xb0: {  	[dreg:$0x7] =	wrdreg $0x14B180  }
0xb1: {  	[dreg:$0x8] =	wrdreg $0x9  }
0xb2: {  	_ =	task.clear_ibuf [dreg:s5], $0x9FFFF;
	_ =	strace $0x90000046  }
0xb3: {  	s26 =	simm.s32 $0x9;
	_ =	strace $0x80000048  }
0xb4: {  	_ =	swait.ge [sflag:s26], $0x1  }
0xb5: {  	[sflag:s26] =	ssyncadd.s32 $0xFFFFFFFF  }
0xb6: {  	_ =	strace $0x90000048  }
0xb7: {  	_ =	sfence  }
0xb8: {  	s28 =	sld [smem:$0x0];
	_ =	sdelay $0x1  }
0xb9: {  	s29 =	srdreg.scid  }
0xba: {  	s30 =	sshll.u32 s29, $0xD;
	s31 =	sshrl.u32 s29, $0x2  }
0xbb: {  	s2 =	sand.u32 $0x4000, s30;
	s1 =	sand.u32 $0x1, s29;
	s0 =	sadd.s32 s31, s28  }
0xbc: {  	s1 =	sor.u32 s2, s1;
	s0 =	sshll.u32 s0, $0x11  }
0xbd: {  	s0 =	sor.u32 s0, s1  }
0xbe: {  	s0 =	sadd.s32 $0x8F2B, s0  }
0xbf: {  	[sflag:s0] =	ssyncadd.remote.s32 $0x1  }
0xc0: {  	_ =	sfence.sel $0xFFFF  }
0xc1: {  	[dreg:$0x0] =	wrdreg $0xFFFFFFFF;
	(pc) =	sbr.abs _section_cstart, $3  }
0xc2: {  	[dreg:$0x1] =	wrdreg $0xFFFFFFFF  }
0xc3: {  	_ =	task.clear_ibuf [dreg:s5], $0x2FFFF;
	_ =	strace $0x9FFFFFFF  }
0xc4: {  	(tm) =	ssettm $0x7FFFFFFF  }
0xc5: {  	_ =	shalt  }
tec
execute0_lowered:
.L_overlay_start_1:
0x0: {  	(tag) =	ssettag $0x1  }
0x1: {  	s3 =	rddreg [dreg:$0x0]  }
0x2: {  	s1 =	rddreg [dreg:$0x1]  }
0x3: {  	s9 =	rddreg [dreg:$0x2]  }
0x4: {  	s13 =	rddreg [dreg:$0x3]  }
0x5: {  	s8 =	rddreg [dreg:$0x4]  }
0x6: {  	s2 =	rddreg [dreg:$0x5]  }
0x7: {  	s0 =	rddreg [dreg:$0x6];
	s4 =	simm.s32 $0x0  }
0x8: {  	s6 =	simm.s32 $0x14100;
	[smem:$0x7FF] =	sst s4  }
0x9: {  	s30 =	simm.s32 $0x3;
	s5 =	sadd.s32 $0x80C00, s3;
	_ =	strace $0x80000047  }
0xa: {  	[tilespmem:s6], [sflag:$0x3] =	stream.linear.gather [hbm4b:s5+s4], $0x10, $0x38;
	[tilespmem:$0x14B48] =	vst v63  }
0xb: {  	_ =	swait.ge [sflag:s30], $0x10  }
0xc: {  	[sflag:s30] =	ssyncset.done $0x0  }
0xd: {  	s7 =	simm.s32 $0x14180;
	s31 =	sadd.s32 $0x80E00, s3;
	[sflag:s30] =	ssyncadd.s32 $0xFFFFFFF0  }
0xe: {  	v2 =	vld [tilespmem:$0x14100];
	[tilespmem:s7], [sflag:$0x3] =	stream.linear.gather [hbm4b:s31+s4], $0x80, $0x38  }
0xf: {  	_ =	swait.ge [sflag:s30], $0x80  }
0x10: {  	[sflag:s30] =	ssyncset.done $0x0  }
0x11: {  	s5 =	sadd.s32 $0x40C00, s3;
	s6 =	simm.s32 $0x40;
	[sflag:s30] =	ssyncadd.s32 $0xFFFFFF80  }
0x12: {  	v0 =	vimm.s32 $0x7FFFFFFF;
	s4 =	sadd.s32 $0xC00, s3;
	s3 =	stileid.u32;
	s7 =	simm.s32 $0x0;
	v1 =	vld [tilespmem:$0x14180]  }
.LBB2_1:
0x13: {  	p0 =	sne.s32 s6, $0xFC0;
	[tilespmem:s7+$0x8000] =	vst v0;
	s7 =	smov.u32 s6;
	s6 =	sadd.s32 $0x40, s6  }
.Ltmp0:
0x14: {  	(pc) =	sbr.rel @p0 .LBB2_1-.Ltmp0, $2  }
0x15: {  	_ =	sdelay $0x2  }
0x16: {  	s7 =	sshra.s32 s7, $0x2  }
0x17: {  	s11 =	sshll.u32 s3, $0xE;
	s6 =	sshll.u32 s3, $0x11  }
0x18: {  	s10 =	simm.s32 $0x0;
	s12 =	simm.s32 $0x2000;
	s14 =	simm.s32 $0x6000  }
.Ltmp1:
0x19: {  	[tilespmem:s7+$0x8000] =	vst v0;
	s15 =	simm.s32 $0x1;
	s30 =	sadd.s32 s4, s11;
	(pc) =	sbr.rel .LBB2_3-.Ltmp1, $4  }
0x1a: {  	[tilespmem:s10], [sflag:$0x1] =	stream.linear.gather [hbm4b:s30+s10], $0x2000, $0x38;
	[tilespmem:$0x14B48] =	vst v63  }
0x1b: {  	s16 =	simm.s32 $0x2;
	s7 =	simm.s32 $0x0;
	s31 =	sadd.s32 s5, s11  }
0x1c: {  	[tilespmem:s12], [sflag:$0x1] =	stream.linear.gather [hbm4b:s31+s10], $0x2000, $0x38;
	[tilespmem:$0x14B48] =	vst v63  }
0x1d: {  	v0 =	vimm.s32 $0x0;
	s17 =	simm.s32 $0x0;
	s11 =	sor.u32 $0x4000, s6;
	s12 =	simm.s32 $0x4000  }
.LBB2_15:
0x1e: {  	s17 =	sadd.s32 $0x1, s17  }
0x1f: {  	p0 =	sne.s32 s17, $0x8  }
.Ltmp2:
0x20: {  	_ = 	snop;
	(pc) =	sbr.rel @!p0 .LBB2_16-.Ltmp2, $1  }
0x21: {  	_ =	sdelay $0x3  }
.LBB2_3:
0x22: {  	s18 =	sshll.u32 s17, $0xE  }
0x23: {  	s19 =	sor.u32 s18, s6  }
0x24: {  	s19 =	sshrl.u32 s19, $0x3  }
0x25: {  	s19 =	sor.u32 $0x400, s19  }
0x26: {  	s20 =	sadd.s32 s4, s19  }
0x27: {  	[tilespmem:s12], [sflag:$0x2] =	stream.linear.gather [hbm4b:s20+s10], $0x2000, $0x38;
	[tilespmem:$0x14B48] =	vst v63  }
0x28: {  	s19 =	sadd.s32 s5, s19  }
0x29: {  	[tilespmem:s14], [sflag:$0x2] =	stream.linear.gather [hbm4b:s19+s10], $0x2000, $0x38;
	[tilespmem:$0x14B48] =	vst v63  }
0x2a: {  	_ =	swait.ge [sflag:s15], $0x2000  }
.Ltmp3:
0x2b: {  	[sflag:s15] =	ssyncset.done $0x0;
	(pc) =	sbr.rel .LBB2_4-.Ltmp3, $4  }
0x2c: {  	[sflag:s15] =	ssyncadd.s32 $0xFFFFE000  }
0x2d: {  	_ =	swait.ge [sflag:s15], $0x2000  }
0x2e: {  	s21 =	simm.s32 $0x0;
	[sflag:s15] =	ssyncset.done $0x0  }
0x2f: {  	s20 =	simm.s32 $0x0;
	s19 =	simm.s32 $0x2000;
	[sflag:s15] =	ssyncadd.s32 $0xFFFFE000  }
.LBB2_8:
0x30: {  	s21 =	sadd.s32 $0x1, s21  }
0x31: {  	p0 =	sne.s32 s21, $0x20  }
.Ltmp4:
0x32: {  	_ = 	snop;
	(pc) =	sbr.rel @!p0 .LBB2_9-.Ltmp4, $2  }
0x33: {  	_ =	sdelay $0x2  }
0x34: {  	s20 =	sadd.s32 $0x100, s20;
	s19 =	sadd.s32 $0x100, s19  }
.LBB2_4:
0x35: {  	s22 =	sshll.u32 s21, $0x8  }
0x36: {  	v3 =	vld [tilespmem:s22+$0x0]  }
0x37: {  	v4 =	vld [tilespmem:s22+$0x10]  }
0x38: {  	v5 =	vld [tilespmem:s22+$0x20]  }
0x39: {  	v6 =	vld [tilespmem:s22+$0x30]  }
0x3a: {  	v7 =	vld [tilespmem:s22+$0x40]  }
0x3b: {  	v8 =	vld [tilespmem:s22+$0x50]  }
0x3c: {  	vm0 =	vgt.s32 v3, $0xFFFFFFFF;
	vm1 =	vgt.s32 v4, $0xFFFFFFFF;
	v3 =	vld [tilespmem:s22+$0x60]  }
0x3d: {  	v42 =	vld [tilespmem:s22+$0x70];
	vm14 =	vgt.s32 v5, $0xFFFFFFFF;
	v41 =	vsel vm0, $0x1, v0;
	v9 =	vsel vm1, $0x1, v0  }
0x3e: {  	v44 =	vld [tilespmem:s22+$0x80];
	vm15 =	vgt.s32 v6, $0xFFFFFFFF;
	v43 =	vsel vm14, $0x1, v0;
	v4 =	vadd.s32 v41, v9  }
0x3f: {  	v46 =	vld [tilespmem:s22+$0x90];
	vm4 =	vgt.s32 v7, $0xFFFFFFFF;
	v45 =	vsel vm15, $0x1, v0;
	v4 =	vadd.s32 v43, v4  }
0x40: {  	v48 =	vld [tilespmem:s22+$0xA0];
	vm5 =	vgt.s32 v8, $0xFFFFFFFF;
	v47 =	vsel vm4, $0x1, v0;
	v4 =	vadd.s32 v45, v4  }
0x41: {  	v49 =	vsel vm5, $0x1, v0;
	v4 =	vadd.s32 v47, v4;
	vm6 =	vgt.s32 v3, $0xFFFFFFFF;
	v3 =	vld [tilespmem:s22+$0xB0]  }
0x42: {  	v51 =	vld [tilespmem:s22+$0xC0];
	vm7 =	vgt.s32 v42, $0xFFFFFFFF;
	v4 =	vadd.s32 v49, v4;
	v50 =	vsel vm6, $0x1, v0  }
0x43: {  	v53 =	vld [tilespmem:s22+$0xD0];
	vm8 =	vgt.s32 v44, $0xFFFFFFFF;
	v52 =	vsel vm7, $0x1, v0;
	v4 =	vadd.s32 v50, v4  }
0x44: {  	v55 =	vld [tilespmem:s22+$0xE0];
	vm9 =	vgt.s32 v46, $0xFFFFFFFF;
	v54 =	vsel vm8, $0x1, v0;
	v4 =	vadd.s32 v52, v4  }
0x45: {  	v57 =	vld [tilespmem:s22+$0xF0];
	vm10 =	vgt.s32 v48, $0xFFFFFFFF;
	v56 =	vsel vm9, $0x1, v0;
	v4 =	vadd.s32 v54, v4  }
0x46: {  	v58 =	vsel vm10, $0x1, v0;
	v4 =	vadd.s32 v56, v4;
	vm11 =	vgt.s32 v3, $0xFFFFFFFF  }
0x47: {  	vm12 =	vgt.s32 v51, $0xFFFFFFFF;
	v3 =	vadd.s32 v58, v4;
	v59 =	vsel vm11, $0x1, v0  }
0x48: {  	vm13 =	vgt.s32 v53, $0xFFFFFFFF;
	v60 =	vsel vm12, $0x1, v0;
	v3 =	vadd.s32 v59, v3  }
0x49: {  	v61 =	vsel vm13, $0x1, v0;
	vm14 =	vgt.s32 v55, $0xFFFFFFFF;
	v3 =	vadd.s32 v60, v3  }
0x4a: {  	vm15 =	vgt.s32 v57, $0xFFFFFFFF;
	v62 =	vsel vm14, $0x1, v0;
	v3 =	vadd.s32 v61, v3  }
0x4b: {  	v63 =	vsel vm15, $0x1, v0;
	v3 =	vadd.s32 v62, v3  }
0x4c: {  	v3 =	vadd.s32 v63, v3  }
0x4d: {  	v3 =	vxor.u32 $0x80000000, v3  }
0x4e: {  	(xrf0) =	vmax.scan.msk.u32 $0xffff, v3;
	_ =	sdelay $0x5  }
0x4f: {  	v3, _, _ =	vpop (xrf0)  }
0x50: {  	(v2sf) =	vpush v3, $0xF;
	_ =	sdelay $0xe  }
0x51: {  	s31 =	spop (v2sf)  }
0x52: {  	p0 =	slt.u32 s31, $0x80000001  }
.Ltmp5:
0x53: {  	_ = 	snop;
	(pc) =	sbr.rel @p0 .LBB2_8-.Ltmp5, $2  }
0x54: {  	_ =	sdelay $0x2  }
0x55: {  	s22 =	simm.s32 $0x0  }
0x56: {  	s23 =	sshra.s32 s22, $0x2  }
0x57: {  	s24 =	sadd.s32 s23, s20  }
0x58: {  	v4 =	vld [tilespmem:s24+$0x0];
	_ =	sdelay $0x4  }
0x59: {  	vm0 =	vgt.s32 v4, $0xFFFFFFFF  }
0x5a: {  	v3 =	vmpcnt.ones.xlane vm0;
	_ =	sdelay $0x1  }
0x5b: {  	v3 =	vxor.u32 $0x80000000, v3  }
0x5c: {  	(xrf0) =	vmax.scan.msk.u32 $0xffff, v3;
	_ =	sdelay $0x2  }
0x5d: {  	s23 =	sadd.s32 s23, s19  }
0x5e: {  	v3 =	vld [tilespmem:s23+$0x0];
	_ =	sdelay $0x1  }
0x5f: {  	p0 =	slt.s32 s7, $0x4000;
	s24 =	smov.u32 s7;
	v5, _, _ =	vpop (xrf0)  }
0x60: {  	s31 =	sadd.s32 $0x40, s22;
	s24 =	simm.s32 @!p0 $0x4000;
	(v2sf) =	vpush v5, $0xF  }
0x61: {  	s22 =	sadd.s32 $0x40, s31;
	s23 =	sshra.s32 s31, $0x2;
	[tilespmem:s24+$0x8000] =	vst.msk vm0, v4  }
.LBB2_6:
0x62: {  	p0 =	sne.s32 s22, $0x3C0;
	s25 =	sadd.s32 s23, s20;
	[tilespmem:s24+$0xC080] =	vst.msk vm0, v3  }
0x63: {  	v4 =	vld [tilespmem:s25+$0x0];
	_ =	sdelay $0x4  }
0x64: {  	vm0 =	vgt.s32 v4, $0xFFFFFFFF  }
0x65: {  	v3 =	vmpcnt.ones.xlane vm0;
	_ =	sdelay $0x1  }
0x66: {  	v3 =	vxor.u32 $0x80000000, v3  }
0x67: {  	(xrf0) =	vmax.scan.msk.u32 $0xffff, v3;
	_ =	sdelay $0x2  }
0x68: {  	s23 =	sadd.s32 s23, s19;
	s24 =	spop (v2sf)  }
.Ltmp6:
0x69: {  	v3 =	vld [tilespmem:s23+$0x0];
	s7 =	sadd.s32 s24, s7;
	(pc) =	sbr.rel @p0 .LBB2_6-.Ltmp6, $4  }
0x6a: {  	s7 =	sadd.s32 $0x80000000, s7  }
0x6b: {  	p1 =	slt.s32 s7, $0x4000;
	v5, _, _ =	vpop (xrf0);
	s24 =	smov.u32 s7  }
0x6c: {  	s24 =	simm.s32 @!p1 $0x4000;
	(v2sf) =	vpush v5, $0xF  }
0x6d: {  	s23 =	sshra.s32 s22, $0x2;
	s22 =	sadd.s32 $0x40, s22;
	[tilespmem:s24+$0x8000] =	vst.msk vm0, v4  }
0x6e: {  	s22 =	sadd.s32 s23, s20;
	[tilespmem:s24+$0xC080] =	vst.msk vm0, v3  }
0x6f: {  	v3 =	vld [tilespmem:s22+$0x0];
	_ =	sdelay $0x4  }
0x70: {  	vm15 =	vgt.s32 v3, $0xFFFFFFFF  }
0x71: {  	v4 =	vmpcnt.ones.xlane vm15;
	_ =	sdelay $0x1  }
0x72: {  	v4 =	vxor.u32 $0x80000000, v4  }
0x73: {  	(xrf0) =	vmax.scan.msk.u32 $0xffff, v4;
	_ =	sdelay $0x5  }
0x74: {  	v4, _, _ =	vpop (xrf0)  }
0x75: {  	(v2sf) =	vpush v4, $0xF;
	_ =	sdelay $0xa  }
0x76: {  	s30 =	sadd.s32 s23, s19;
	s29 =	spop (v2sf)  }
0x77: {  	v63 =	vld [tilespmem:s30+$0x0];
	s7 =	sadd.s32 s29, s7  }
.Ltmp7:
0x78: {  	s7 =	sadd.s32 $0x80000000, s7;
	(pc) =	sbr.rel .LBB2_8-.Ltmp7, $4  }
0x79: {  	p0 =	slt.s32 s7, $0x4000;
	s22 =	smov.u32 s7  }
0x7a: {  	s22 =	simm.s32 @!p0 $0x4000;
	s31 =	spop (v2sf)  }
0x7b: {  	[tilespmem:s22+$0x8000] =	vst.msk vm15, v3;
	s7 =	sadd.s32 s31, s7  }
0x7c: {  	[tilespmem:s22+$0xC080] =	vst.msk vm15, v63;
	s7 =	sadd.s32 $0x80000000, s7  }
.LBB2_9:
0x7d: {  	p0 =	seq.s32 s17, $0x7  }
0x7e: {  	s18 =	sadd.s32 @!p0 s18, s11  }
0x7f: {  	s18 =	sshrl.u32 @!p0 s18, $0x3  }
0x80: {  	s20 =	simm.s32 @!p0 $0x0;
	s19 =	sadd.s32 @!p0 s4, s18  }
0x81: {  	[tilespmem:s20], [sflag:$0x1] =	stream.linear.gather @!p0 [hbm4b:s19+s20], $0x2000, $0x38;
	[tilespmem:$0x14B48] =	vst v63  }
0x82: {  	s18 =	sadd.s32 @!p0 s5, s18;
	s19 =	simm.s32 @!p0 $0x2000  }
0x83: {  	[tilespmem:s19], [sflag:$0x1] =	stream.linear.gather @!p0 [hbm4b:s18+s20], $0x2000, $0x38;
	[tilespmem:$0x14B48] =	vst v63  }
0x84: {  	_ =	swait.ge [sflag:s16], $0x2000  }
.Ltmp8:
0x85: {  	[sflag:s16] =	ssyncset.done $0x0;
	(pc) =	sbr.rel .LBB2_10-.Ltmp8, $4  }
0x86: {  	[sflag:s16] =	ssyncadd.s32 $0xFFFFE000  }
0x87: {  	_ =	swait.ge [sflag:s16], $0x2000  }
0x88: {  	s21 =	simm.s32 $0x0;
	s18 =	simm.s32 $0x0;
	[sflag:s16] =	ssyncset.done $0x0  }
0x89: {  	s19 =	simm.s32 $0x4000;
	s20 =	simm.s32 $0x6000;
	[sflag:s16] =	ssyncadd.s32 $0xFFFFE000  }
.LBB2_14:
0x8a: {  	s21 =	sadd.s32 $0x1, s21  }
0x8b: {  	p0 =	sne.s32 s21, $0x20  }
.Ltmp9:
0x8c: {  	_ = 	snop;
	(pc) =	sbr.rel @!p0 .LBB2_15-.Ltmp9, $2  }
0x8d: {  	_ =	sdelay $0x2  }
0x8e: {  	s19 =	sadd.s32 $0x100, s19;
	s20 =	sadd.s32 $0x100, s20  }
.LBB2_10:
0x8f: {  	s22 =	sshll.u32 s21, $0x8  }
0x90: {  	v3 =	vld [tilespmem:s22+$0x4000]  }
0x91: {  	v4 =	vld [tilespmem:s22+$0x4010]  }
0x92: {  	v5 =	vld [tilespmem:s22+$0x4020]  }
0x93: {  	v6 =	vld [tilespmem:s22+$0x4030]  }
0x94: {  	v7 =	vld [tilespmem:s22+$0x4040]  }
0x95: {  	v8 =	vld [tilespmem:s22+$0x4050]  }
0x96: {  	vm0 =	vgt.s32 v3, $0xFFFFFFFF;
	vm1 =	vgt.s32 v4, $0xFFFFFFFF;
	v3 =	vld [tilespmem:s22+$0x4060]  }
0x97: {  	v42 =	vld [tilespmem:s22+$0x4070];
	vm14 =	vgt.s32 v5, $0xFFFFFFFF;
	v41 =	vsel vm0, $0x1, v0;
	v9 =	vsel vm1, $0x1, v0  }
0x98: {  	v44 =	vld [tilespmem:s22+$0x4080];
	vm15 =	vgt.s32 v6, $0xFFFFFFFF;
	v43 =	vsel vm14, $0x1, v0;
	v4 =	vadd.s32 v41, v9  }
0x99: {  	v46 =	vld [tilespmem:s22+$0x4090];
	vm4 =	vgt.s32 v7, $0xFFFFFFFF;
	v45 =	vsel vm15, $0x1, v0;
	v4 =	vadd.s32 v43, v4  }
0x9a: {  	v48 =	vld [tilespmem:s22+$0x40A0];
	vm5 =	vgt.s32 v8, $0xFFFFFFFF;
	v47 =	vsel vm4, $0x1, v0;
	v4 =	vadd.s32 v45, v4  }
0x9b: {  	v49 =	vsel vm5, $0x1, v0;
	v4 =	vadd.s32 v47, v4;
	vm6 =	vgt.s32 v3, $0xFFFFFFFF;
	v3 =	vld [tilespmem:s22+$0x40B0]  }
0x9c: {  	v51 =	vld [tilespmem:s22+$0x40C0];
	vm7 =	vgt.s32 v42, $0xFFFFFFFF;
	v4 =	vadd.s32 v49, v4;
	v50 =	vsel vm6, $0x1, v0  }
0x9d: {  	v53 =	vld [tilespmem:s22+$0x40D0];
	vm8 =	vgt.s32 v44, $0xFFFFFFFF;
	v52 =	vsel vm7, $0x1, v0;
	v4 =	vadd.s32 v50, v4  }
0x9e: {  	v55 =	vld [tilespmem:s22+$0x40E0];
	vm9 =	vgt.s32 v46, $0xFFFFFFFF;
	v54 =	vsel vm8, $0x1, v0;
	v4 =	vadd.s32 v52, v4  }
0x9f: {  	v57 =	vld [tilespmem:s22+$0x40F0];
	vm10 =	vgt.s32 v48, $0xFFFFFFFF;
	v56 =	vsel vm9, $0x1, v0;
	v4 =	vadd.s32 v54, v4  }
0xa0: {  	v58 =	vsel vm10, $0x1, v0;
	v4 =	vadd.s32 v56, v4;
	vm11 =	vgt.s32 v3, $0xFFFFFFFF  }
0xa1: {  	vm12 =	vgt.s32 v51, $0xFFFFFFFF;
	v3 =	vadd.s32 v58, v4;
	v59 =	vsel vm11, $0x1, v0  }
0xa2: {  	vm13 =	vgt.s32 v53, $0xFFFFFFFF;
	v60 =	vsel vm12, $0x1, v0;
	v3 =	vadd.s32 v59, v3  }
0xa3: {  	v61 =	vsel vm13, $0x1, v0;
	vm14 =	vgt.s32 v55, $0xFFFFFFFF;
	v3 =	vadd.s32 v60, v3  }
0xa4: {  	vm15 =	vgt.s32 v57, $0xFFFFFFFF;
	v62 =	vsel vm14, $0x1, v0;
	v3 =	vadd.s32 v61, v3  }
0xa5: {  	v63 =	vsel vm15, $0x1, v0;
	v3 =	vadd.s32 v62, v3  }
0xa6: {  	v3 =	vadd.s32 v63, v3  }
0xa7: {  	v3 =	vxor.u32 $0x80000000, v3  }
0xa8: {  	(xrf0) =	vmax.scan.msk.u32 $0xffff, v3;
	_ =	sdelay $0x5  }
0xa9: {  	v3, _, _ =	vpop (xrf0)  }
0xaa: {  	(v2sf) =	vpush v3, $0xF;
	_ =	sdelay $0xe  }
0xab: {  	s31 =	spop (v2sf)  }
0xac: {  	p0 =	slt.u32 s31, $0x80000001  }
.Ltmp10:
0xad: {  	_ = 	snop;
	(pc) =	sbr.rel @p0 .LBB2_14-.Ltmp10, $1  }
0xae: {  	_ =	sdelay $0x3  }
0xaf: {  	s22 =	sshra.s32 s18, $0x2  }
0xb0: {  	s23 =	sadd.s32 s22, s19  }
0xb1: {  	v4 =	vld [tilespmem:s23+$0x0];
	_ =	sdelay $0x4  }
0xb2: {  	vm0 =	vgt.s32 v4, $0xFFFFFFFF  }
0xb3: {  	v3 =	vmpcnt.ones.xlane vm0;
	_ =	sdelay $0x1  }
0xb4: {  	v3 =	vxor.u32 $0x80000000, v3  }
0xb5: {  	(xrf0) =	vmax.scan.msk.u32 $0xffff, v3;
	_ =	sdelay $0x2  }
0xb6: {  	s22 =	sadd.s32 s22, s20  }
0xb7: {  	v3 =	vld [tilespmem:s22+$0x0];
	_ =	sdelay $0x1  }
0xb8: {  	p0 =	slt.s32 s7, $0x4000;
	s24 =	smov.u32 s7;
	v5, _, _ =	vpop (xrf0)  }
0xb9: {  	s25 =	sadd.s32 $0x40, s18;
	s24 =	simm.s32 @!p0 $0x4000;
	(v2sf) =	vpush v5, $0xF  }
0xba: {  	s23 =	sshra.s32 s25, $0x2;
	s22 =	sadd.s32 $0x40, s25;
	[tilespmem:s24+$0x8000] =	vst.msk vm0, v4  }
.LBB2_12:
0xbb: {  	p0 =	sne.s32 s22, $0x3C0;
	s25 =	sadd.s32 s23, s19;
	[tilespmem:s24+$0xC080] =	vst.msk vm0, v3  }
0xbc: {  	v4 =	vld [tilespmem:s25+$0x0];
	_ =	sdelay $0x4  }
0xbd: {  	vm0 =	vgt.s32 v4, $0xFFFFFFFF  }
0xbe: {  	v3 =	vmpcnt.ones.xlane vm0;
	_ =	sdelay $0x1  }
0xbf: {  	v3 =	vxor.u32 $0x80000000, v3  }
0xc0: {  	(xrf0) =	vmax.scan.msk.u32 $0xffff, v3;
	_ =	sdelay $0x2  }
0xc1: {  	s23 =	sadd.s32 s23, s20;
	s24 =	spop (v2sf)  }
.Ltmp11:
0xc2: {  	v3 =	vld [tilespmem:s23+$0x0];
	s7 =	sadd.s32 s24, s7;
	(pc) =	sbr.rel @p0 .LBB2_12-.Ltmp11, $4  }
0xc3: {  	s7 =	sadd.s32 $0x80000000, s7  }
0xc4: {  	p1 =	slt.s32 s7, $0x4000;
	v5, _, _ =	vpop (xrf0);
	s24 =	smov.u32 s7  }
0xc5: {  	s24 =	simm.s32 @!p1 $0x4000;
	(v2sf) =	vpush v5, $0xF  }
0xc6: {  	s23 =	sshra.s32 s22, $0x2;
	s22 =	sadd.s32 $0x40, s22;
	[tilespmem:s24+$0x8000] =	vst.msk vm0, v4  }
0xc7: {  	s22 =	sadd.s32 s23, s19;
	[tilespmem:s24+$0xC080] =	vst.msk vm0, v3  }
0xc8: {  	v3 =	vld [tilespmem:s22+$0x0];
	_ =	sdelay $0x4  }
0xc9: {  	vm15 =	vgt.s32 v3, $0xFFFFFFFF  }
0xca: {  	v4 =	vmpcnt.ones.xlane vm15;
	_ =	sdelay $0x1  }
0xcb: {  	v4 =	vxor.u32 $0x80000000, v4  }
0xcc: {  	(xrf0) =	vmax.scan.msk.u32 $0xffff, v4;
	_ =	sdelay $0x5  }
0xcd: {  	v4, _, _ =	vpop (xrf0)  }
0xce: {  	(v2sf) =	vpush v4, $0xF;
	_ =	sdelay $0xa  }
0xcf: {  	s30 =	sadd.s32 s23, s20;
	s29 =	spop (v2sf)  }
0xd0: {  	v63 =	vld [tilespmem:s30+$0x0];
	s7 =	sadd.s32 s29, s7  }
.Ltmp12:
0xd1: {  	s7 =	sadd.s32 $0x80000000, s7;
	(pc) =	sbr.rel .LBB2_14-.Ltmp12, $4  }
0xd2: {  	p0 =	slt.s32 s7, $0x4000;
	s22 =	smov.u32 s7  }
0xd3: {  	s22 =	simm.s32 @!p0 $0x4000;
	s31 =	spop (v2sf)  }
0xd4: {  	[tilespmem:s22+$0x8000] =	vst.msk vm15, v3;
	s7 =	sadd.s32 s31, s7  }
0xd5: {  	[tilespmem:s22+$0xC080] =	vst.msk vm15, v63;
	s7 =	sadd.s32 $0x80000000, s7  }
.LBB2_16:
0xd6: {  	s10 =	sshll.u32 s3, $0x4;
	v0 =	vmov s7  }
0xd7: {  	s11 =	simm.s32 $0x14180;
	s16 =	simm.s32 $0x3;
	s10 =	sadd.s32 s10, s9;
	[tilespmem:$0x14180] =	vst v0  }
0xd8: {  	[spmem:s10] =	stream.linear.scatter [tilespmem:s11], [sflag:$0x3], $0x10, $0x38;
	[tilespmem:$0x14B48] =	vst v63  }
0xd9: {  	_ =	swait.ge [sflag:s16], $0x10  }
0xda: {  	s11 =	sshll.u32 s3, $0xA;
	[sflag:s16] =	ssyncset.done $0x0  }
0xdb: {  	s12 =	simm.s32 $0x8000;
	s10 =	sadd.s32 s11, s13;
	[sflag:s16] =	ssyncadd.s32 $0xFFFFFFF0  }
0xdc: {  	[spmem:s10] =	stream.linear.scatter [tilespmem:s12], [sflag:$0x3], $0x400, $0x38;
	[tilespmem:$0x14B48] =	vst v63  }
0xdd: {  	_ =	swait.ge [sflag:s16], $0x400  }
0xde: {  	[sflag:s16] =	ssyncset.done $0x0  }
0xdf: {  	[sflag:s16] =	ssyncadd.s32 $0xFFFFFC00  }
0xe0: {  	s14 =	simm.s32 $0x14200;
	[bflag:$0x0] =	sbarrier.arrive $0xFFFF  }
0xe1: {  	[tilespmem:s14], [sflag:$0x3] =	stream.linear.gather [spmem:s9], $0x100, $0x38;
	[tilespmem:$0x14B48] =	vst v63  }
0xe2: {  	_ =	swait.ge [sflag:s16], $0x100  }
0xe3: {  	[sflag:s16] =	ssyncset.done $0x0  }
0xe4: {  	[sflag:s16] =	ssyncadd.s32 $0xFFFFFF00  }
0xe5: {  	v3 =	vld [tilespmem:$0x14200]  }
0xe6: {  	v4 =	vld [tilespmem:$0x14210];
	_ =	sdelay $0x3  }
0xe7: {  	v5 =	vld [tilespmem:$0x14220];
	v3 =	vxor.u32 $0x80000000, v3  }
0xe8: {  	v6 =	vld [tilespmem:$0x14230];
	(xrf0) =	vmax.scan.msk.u32 $0xffff, v3;
	v3 =	vxor.u32 $0x80000000, v4  }
0xe9: {  	(xrf0) =	vmax.scan.msk.u32 $0xffff, v3;
	v3 =	vld [tilespmem:$0x14240];
	_ =	sdelay $0x2  }
0xea: {  	v45 =	vxor.u32 $0x80000000, v5  }
0xeb: {  	v46 =	vld [tilespmem:$0x14250];
	v47 =	vxor.u32 $0x80000000, v6;
	(xrf0) =	vmax.scan.msk.u32 $0xffff, v45  }
0xec: {  	v48 =	vld [tilespmem:$0x14260];
	(xrf0) =	vmax.scan.msk.u32 $0xffff, v47;
	v49, _, _ =	vpop (xrf0);
	v3 =	vxor.u32 $0x80000000, v3  }
0xed: {  	v50, _, _ =	vpop (xrf0);
	(xrf0) =	vmax.scan.msk.u32 $0xffff, v3;
	v3 =	vld [tilespmem:$0x14270];
	_ =	sdelay $0x2  }
0xee: {  	v4 =	vxor.u32 $0x80000000, v46  }
0xef: {  	v5 =	vxor.u32 $0x80000000, v48;
	(v2sf) =	vpush v49, $0xF;
	v51, _, _ =	vpop (xrf0);
	(xrf0) =	vmax.scan.msk.u32 $0xffff, v4  }
0xf0: {  	v52 =	vld [tilespmem:$0x14280];
	v53, _, _ =	vpop (xrf0);
	(xrf0) =	vmax.scan.msk.u32 $0xffff, v5;
	v3 =	vxor.u32 $0x80000000, v3  }
0xf1: {  	(xrf0) =	vmax.scan.msk.u32 $0xffff, v3;
	v3 =	vld [tilespmem:$0x142A0]  }
0xf2: {  	v54 =	vld [tilespmem:$0x14290]  }
0xf3: {  	(v2sf) =	vpush v50, $0xF;
	_ =	sdelay $0x1  }
0xf4: {  	v57 =	vld [tilespmem:$0x142B0];
	(v2sf) =	vpush v51, $0xF  }
0xf5: {  	v4 =	vxor.u32 $0x80000000, v52;
	(v2sf) =	vpush v53, $0xF;
	v55, _, _ =	vpop (xrf0);
	v3 =	vxor.u32 $0x80000000, v3  }
0xf6: {  	v5 =	vxor.u32 $0x80000000, v54;
	(v2sf) =	vpush v55, $0xF;
	v56, _, _ =	vpop (xrf0);
	(xrf0) =	vmax.scan.msk.u32 $0xffff, v4  }
0xf7: {  	(v2sf) =	vpush v56, $0xF;
	v58, _, _ =	vpop (xrf0);
	(xrf0) =	vmax.scan.msk.u32 $0xffff, v5  }
0xf8: {  	v59 =	vld [tilespmem:$0x142C0];
	(v2sf) =	vpush v58, $0xF;
	(xrf0) =	vmax.scan.msk.u32 $0xffff, v3;
	v3, _, _ =	vpop (xrf0)  }
0xf9: {  	(v2sf) =	vpush v3, $0xF;
	v3 =	vxor.u32 $0x80000000, v57;
	_ =	sdelay $0x2  }
0xfa: {  	(xrf0) =	vmax.scan.msk.u32 $0xffff, v3;
	v3, _, _ =	vpop (xrf0)  }
0xfb: {  	s15 =	spop (v2sf);
	(v2sf) =	vpush v3, $0xF;
	v3 =	vxor.u32 $0x80000000, v59;
	_ =	sdelay $0x2  }
0xfc: {  	vm0 =	vmmov $0x1;
	v60 =	vld [tilespmem:$0x142D0];
	(xrf0) =	vmax.scan.msk.u32 $0xffff, v3;
	v3, _, _ =	vpop (xrf0)  }
0xfd: {  	v61 =	vld [tilespmem:$0x142E0];
	s17 =	spop (v2sf);
	(v2sf) =	vpush v3, $0xF;
	v3 =	vnsel vm0, $0x0, v2;
	_ =	sdelay $0x2  }
0xfe: {  	vm1 =	vcmask $0x308;
	v62 =	vld [tilespmem:$0x142F0];
	(xrf2) =	vadd.scan.msk.f32 $0xffff, v3;
	v3, _, _ =	vpop (xrf0)  }
0xff: {  	v6 =	vxor.u32 $0x80000000, v60;
	s9 =	sxor.u32 $0x80000000, s15;
	s10 =	sxor.u32 $0x80000000, s17;
	s18 =	spop (v2sf);
	(v2sf) =	vpush v3, $0xF;
	v3 =	vsel vm1, $0x0, v2  }
0x100: {  	v4 =	vxor.u32 $0x80000000, v61;
	p0 =	sgt.s32 s9, s10;
	(xrf0) =	vmax.scan.msk.u32 $0xffff, v6  }
0x101: {  	s10 =	smov.u32 @p0 s9;
	s9 =	sxor.u32 $0x80000000, s18;
	(xrf0) =	vmax.scan.msk.u32 $0xffff, v4  }
0x102: {  	vm15 =	vcmask $0x70C;
	s19 =	spop (v2sf);
	p0 =	sgt.s32 s10, s9;
	(xrf2) =	vadd.scan.msk.f32 $0xffff, v3;
	v3, _, _ =	vpop (xrf0)  }
0x103: {  	v63 =	vxor.u32 $0x80000000, v62;
	s9 =	smov.u32 @p0 s10;
	s10 =	sxor.u32 $0x80000000, s19;
	v2 =	vsel vm15, $0x0, v2;
	(v2sf) =	vpush v3, $0xF  }
0x104: {  	p0 =	sgt.s32 s9, s10;
	s20 =	spop (v2sf);
	(xrf0) =	vmax.scan.msk.u32 $0xffff, v63;
	v3, _, _ =	vpop (xrf0)  }
0x105: {  	s10 =	smov.u32 @p0 s9;
	s9 =	sxor.u32 $0x80000000, s20;
	(v2sf) =	vpush v3, $0xF  }
0x106: {  	s21 =	spop (v2sf);
	p0 =	sgt.s32 s10, s9;
	(xrf2) =	vadd.scan.msk.f32 $0xffff, v2;
	v2, _, _ =	vpop (xrf0)  }
0x107: {  	s9 =	smov.u32 @p0 s10;
	s10 =	sxor.u32 $0x80000000, s21;
	(v2sf) =	vpush v2, $0xF  }
0x108: {  	s22 =	spop (v2sf);
	p0 =	sgt.s32 s9, s10;
	v2, _, _ =	vpop (xrf0)  }
0x109: {  	s10 =	smov.u32 @p0 s9;
	s9 =	sxor.u32 $0x80000000, s22;
	(v2sf) =	vpush v2, $0xF  }
0x10a: {  	p0 =	sgt.s32 s10, s9;
	s23 =	spop (v2sf);
	v2, _, _ =	vpop (xrf0)  }
0x10b: {  	v1 =	vnsel vm0, $0x0, v1;
	s9 =	smov.u32 @p0 s10;
	s10 =	sxor.u32 $0x80000000, s23;
	(v2sf) =	vpush v2, $0xF  }
0x10c: {  	p0 =	sgt.s32 s9, s10;
	s24 =	spop (v2sf)  }
0x10d: {  	s10 =	smov.u32 @p0 s9;
	s9 =	sxor.u32 $0x80000000, s24;
	(xrf0) =	vadd.scan.msk.s32 $0xffff, v1  }
0x10e: {  	v1, _, _ =	vpop (xrf2);
	p0 =	sgt.s32 s10, s9;
	s25 =	spop (v2sf)  }
0x10f: {  	s9 =	smov.u32 @p0 s10;
	(v2sf) =	vpush v1, $0xF;
	s10 =	sxor.u32 $0x80000000, s25  }
0x110: {  	p0 =	sgt.s32 s9, s10;
	s26 =	spop (v2sf)  }
0x111: {  	v1, _, _ =	vpop (xrf2);
	s10 =	smov.u32 @p0 s9;
	s9 =	sxor.u32 $0x80000000, s26  }
0x112: {  	(v2sf) =	vpush v1, $0xF;
	v1, _, _ =	vpop (xrf2);
	p0 =	sgt.s32 s10, s9;
	s28 =	spop (v2sf)  }
0x113: {  	(v2sf) =	vpush v1, $0xF;
	v1, _, _ =	vpop (xrf0);
	s9 =	smov.u32 @p0 s10;
	s10 =	sxor.u32 $0x80000000, s28  }
0x114: {  	(v2sf) =	vpush v1, $0xF;
	s29 =	spop (v2sf);
	p0 =	sgt.s32 s9, s10  }
0x115: {  	s10 =	smov.u32 @p0 s9;
	s9 =	sxor.u32 $0x80000000, s29  }
0x116: {  	s30 =	spop (v2sf);
	p0 =	sgt.s32 s10, s9  }
0x117: {  	s9 =	smov.u32 @p0 s10;
	s10 =	sxor.u32 $0x80000000, s30  }
0x118: {  	s31 =	spop (v2sf);
	p0 =	sgt.s32 s9, s10  }
0x119: {  	s11 =	sxor.u32 $0x80000000, s31;
	s10 =	smov.u32 @p0 s9  }
0x11a: {  	s12 =	spop (v2sf);
	p0 =	sgt.s32 s10, s11  }
0x11b: {  	s12 =	sxor.u32 $0x80000000, s12;
	s11 =	smov.u32 @p0 s10  }
0x11c: {  	p0 =	sgt.s32 s11, s12  }
0x11d: {  	s12 =	smov.u32 @p0 s11  }
0x11e: {  	s9 =	spop (v2sf);
	p1 =	sgt.s32 s12, $0x400  }
.Ltmp13:
0x11f: {  	s14 =	scvt.f32.s32 s9;
	(pc) =	sbr.rel @p1 .LBB2_37-.Ltmp13, $4  }
0x120: {  	_ = 	snop  }
0x121: {  	s17 =	smul.u32 $0xC0, s3;
	s10 =	spop (v2sf);
	s15 =	ssub.s32 $0x186A0, s14  }
0x122: {  	s11 =	spop (v2sf);
	p0 =	sgt.s32 s15, $0x1  }
0x123: {  	s14 =	sshrl.u32 s17, $0x2;
	s15 =	simm.s32 @!p0 $0x1;
	s12 =	spop (v2sf)  }
.Ltmp14:
0x124: {  	s8 =	simm.s32 $0x10100;
	(pc) =	sbr.rel .LBB2_18-.Ltmp14, $4  }
0x125: {  	[tilespmem:s8], [sflag:$0x3] =	stream.linear.gather [spmem:s13], $0x4000, $0x38;
	[tilespmem:$0x14B48] =	vst v63  }
0x126: {  	_ =	swait.ge [sflag:s16], $0x4000  }
0x127: {  	s8 =	simm.s32 $0x0;
	[sflag:s16] =	ssyncset.done $0x0  }
0x128: {  	v1 =	vlaneseq.u32;
	s13 =	simm.s32 $0x400000;
	[sflag:s16] =	ssyncadd.s32 $0xFFFFC000;
	s16 =	simm.s32 $0x0  }
.LBB2_35:
0x129: {  	s16 =	sadd.s32 $0x1, s16  }
0x12a: {  	p1 =	sne.s32 s16, $0x17  }
.Ltmp15:
0x12b: {  	_ = 	snop;
	(pc) =	sbr.rel @!p1 .LBB2_36-.Ltmp15, $3  }
0x12c: {  	_ =	sdelay $0x1  }
0x12d: {  	p0 =	slt.s32 s18, s15  }
0x12e: {  	s8 =	smov.u32 @p0 s17  }
.LBB2_18:
.Ltmp16:
0x12f: {  	(pc) =	sbr.rel .LBB2_19-.Ltmp16, $4  }
0x130: {  	s17 =	sshrl.u32 s13, s16  }
0x131: {  	s17 =	sadd.s32 s17, s8  }
0x132: {  	s18 =	sadd.s32 $0xFFFFFFFF, s17  }
0x133: {  	s19 =	simm.s32 $0x0;
	s20 =	simm.s32 $0x0;
	v2 =	vmov s18;
	s18 =	simm.s32 $0x0  }
.LBB2_21:
0x134: {  	s22 =	smov.u32 s21;
	s23 =	smov.u32 s18  }
.LBB2_33:
0x135: {  	s22 =	sadd.s32 @p0 $0xFFFFFFF0, s22  }
0x136: {  	s21 =	smov.u32 @p0 s22  }
0x137: {  	v5 =	vmov s21  }
0x138: {  	vm1 =	vle.s32 v3, v2;
	vm0 =	vgt.s32 v5, v1  }
0x139: {  	v3 =	vxor.u32 @p0 $0x80000000, v4;
	vm0 =	vmand vm0, vm1  }
0x13a: {  	(xrf0) =	vmax.scan.msk.u32 @p0 $0xffff, v3;
	v3 =	vmpcnt.ones.xlane vm0;
	_ =	sdelay $0x1  }
0x13b: {  	v3 =	vxor.u32 $0x80000000, v3  }
0x13c: {  	v4, _, _ =	vpop @p1 (xrf0);
	(xrf0) =	vmax.scan.msk.u32 $0xffff, v3  }
0x13d: {  	(v2sf) =	vpush @p1 v4, $0xF;
	_ =	sdelay $0x1  }
0x13e: {  	v3, _, _ =	vpop @p0 (xrf0)  }
0x13f: {  	(v2sf) =	vpush @p0 v3, $0xF;
	_ =	sdelay $0x1  }
0x140: {  	v3, _, _ =	vpop (xrf0)  }
0x141: {  	s21 =	spop @p4 (v2sf);
	(v2sf) =	vpush v3, $0xF  }
0x142: {  	s21 =	sadd.s32 @p4 s21, s23  }
0x143: {  	s22 =	smov.u32 s18;
	s21 =	sadd.s32 @p4 $0x80000000, s21  }
0x144: {  	s23 =	spop @p3 (v2sf);
	s22 =	smov.u32 @p4 s21  }
0x145: {  	s21 =	sadd.s32 @p3 s23, s22  }
0x146: {  	s22 =	smov.u32 s18;
	s21 =	sadd.s32 @p3 $0x80000000, s21  }
0x147: {  	s23 =	spop @p2 (v2sf);
	s22 =	smov.u32 @p3 s21  }
0x148: {  	s21 =	sadd.s32 @p2 s23, s22  }
0x149: {  	s22 =	smov.u32 s18;
	s21 =	sadd.s32 @p2 $0x80000000, s21  }
0x14a: {  	s22 =	smov.u32 @p2 s21;
	s21 =	spop @p1 (v2sf)  }
0x14b: {  	s21 =	sadd.s32 @p1 s21, s22  }
0x14c: {  	s22 =	smov.u32 s18;
	s21 =	sadd.s32 @p1 $0x80000000, s21  }
0x14d: {  	s22 =	smov.u32 @p1 s21;
	s21 =	spop @p0 (v2sf)  }
0x14e: {  	s21 =	sadd.s32 @p0 s21, s22  }
0x14f: {  	s21 =	sadd.s32 @p0 $0x80000000, s21  }
0x150: {  	s18 =	smov.u32 @p0 s21;
	s31 =	spop (v2sf)  }
0x151: {  	s18 =	sadd.s32 s31, s18  }
0x152: {  	s18 =	sadd.s32 $0x80000000, s18  }
.LBB2_34:
0x153: {  	s20 =	sadd.s32 $0x1, s20  }
0x154: {  	p0 =	sne.s32 s20, $0x10  }
.Ltmp17:
0x155: {  	_ = 	snop;
	(pc) =	sbr.rel @!p0 .LBB2_35-.Ltmp17, $2  }
0x156: {  	_ =	sdelay $0x2  }
0x157: {  	s19 =	sadd.s32 $0x400, s19  }
.LBB2_19:
0x158: {  	s21 =	sshll.u32 s20, $0x4  }
0x159: {  	s21 =	sand.u32 $0x3FFFFFF0, s21  }
0x15a: {  	v3 =	vld [tilespmem:s21+$0x14200];
	_ =	sdelay $0x4  }
0x15b: {  	v3 =	vxor.u32 $0x80000000, v3  }
0x15c: {  	(xrf0) =	vmax.scan.msk.u32 $0xffff, v3;
	_ =	sdelay $0x5  }
0x15d: {  	v3, _, _ =	vpop (xrf0)  }
0x15e: {  	(v2sf) =	vpush v3, $0xF;
	_ =	sdelay $0xe  }
0x15f: {  	s21 =	spop (v2sf)  }
0x160: {  	s22 =	sadd.s32 $0x8000000F, s21  }
0x161: {  	s22 =	sshra.s32 s22, $0x4  }
0x162: {  	p0 =	slt.s32 s22, $0x1  }
.Ltmp18:
0x163: {  	_ = 	snop;
	(pc) =	sbr.rel @p0 .LBB2_34-.Ltmp18, $1  }
0x164: {  	_ =	sdelay $0x3  }
0x165: {  	p5 =	sne.s32 s22, $0x1  }
.Ltmp19:
0x166: {  	s23 =	simm.s32 $0x0;
	s24 =	sadd.s32 $0x0, s19;
	(pc) =	sbr.rel @!p5 .LBB2_21-.Ltmp19, $4  }
0x167: {  	s24 =	sand.u32 $0xFFFFFF80, s24;
	s23 =	sand.u32 $0x70, s23  }
0x168: {  	s21 =	sxor.u32 $0x80000000, s21;
	s22 =	sadd.s32 $0xFFFFFFFF, s22;
	s24 =	sor.u32 s23, s24  }
0x169: {  	p0 =	por $0x0, $0x0;
	p1 =	por $0x0, $0x0;
	p2 =	por $0x0, $0x0;
	v3 =	vld [tilespmem:s24+$0x10100]  }
0x16a: {  	p3 =	por $0x0, $0x0;
	p4 =	por $0x0, $0x0;
	s23 =	simm.s32 $0x10  }
0x16b: {  	p5 =	sne.s32 s22, $0x1  }
.Ltmp20:
0x16c: {  	s24 =	sadd.s32 $0x10, s19;
	(pc) =	sbr.rel @!p5 .LBB2_23-.Ltmp20, $4  }
0x16d: {  	v4 =	vmov s21;
	s23 =	sand.u32 $0x70, s23;
	s24 =	sand.u32 $0xFFFFFF80, s24  }
0x16e: {  	vm0 =	vgt.s32 v4, v1;
	s24 =	sor.u32 s23, s24;
	vm1 =	vle.s32 v3, v2  }
0x16f: {  	v3 =	vld [tilespmem:s24+$0x10100];
	vm0 =	vmand vm0, vm1  }
0x170: {  	p0 =	por $0x1, $0x1;
	s23 =	sadd.s32 $0xFFFFFFFF, s22;
	s24 =	simm.s32 $0x20;
	v4 =	vmpcnt.ones.xlane vm0  }
0x171: {  	p5 =	sne.s32 s23, $0x1  }
.Ltmp21:
0x172: {  	s22 =	sadd.s32 $0xFFFFFFF0, s21;
	s25 =	sadd.s32 $0x20, s19;
	(pc) =	sbr.rel @!p5 .LBB2_25-.Ltmp21, $4  }
0x173: {  	s24 =	sand.u32 $0x70, s24;
	v5 =	vmov s22;
	s25 =	sand.u32 $0xFFFFFF80, s25  }
0x174: {  	vm0 =	vgt.s32 v5, v1;
	s24 =	sor.u32 s24, s25;
	vm1 =	vle.s32 v3, v2;
	v3 =	vxor.u32 $0x80000000, v4  }
0x175: {  	vm0 =	vmand vm0, vm1;
	(xrf0) =	vmax.scan.msk.u32 $0xffff, v3;
	v3 =	vld [tilespmem:s24+$0x10100]  }
0x176: {  	s23 =	sadd.s32 $0xFFFFFFFF, s23;
	p1 =	por $0x1, $0x1;
	s24 =	simm.s32 $0x30;
	v4 =	vmpcnt.ones.xlane vm0  }
0x177: {  	_ =	sdelay $0x3  }
0x178: {  	vm1 =	vle.s32 v3, v2;
	v3 =	vxor.u32 $0x80000000, v4;
	v4, _, _ =	vpop (xrf0)  }
0x179: {  	(v2sf) =	vpush v4, $0xF;
	_ =	sdelay $0x7  }
0x17a: {  	p5 =	sne.s32 s23, $0x1  }
.Ltmp22:
0x17b: {  	s22 =	sadd.s32 $0xFFFFFFF0, s22;
	s25 =	sadd.s32 $0x30, s19;
	(pc) =	sbr.rel @!p5 .LBB2_27-.Ltmp22, $4  }
0x17c: {  	s24 =	sand.u32 $0x70, s24;
	v5 =	vmov s22;
	s25 =	sand.u32 $0xFFFFFF80, s25  }
0x17d: {  	vm0 =	vgt.s32 v5, v1;
	s24 =	sor.u32 s24, s25  }
0x17e: {  	vm0 =	vmand vm0, vm1;
	(xrf0) =	vmax.scan.msk.u32 $0xffff, v3;
	v3 =	vld [tilespmem:s24+$0x10100]  }
0x17f: {  	s23 =	sadd.s32 $0xFFFFFFFF, s23;
	p2 =	por $0x1, $0x1;
	s24 =	simm.s32 $0x40;
	v4 =	vmpcnt.ones.xlane vm0  }
0x180: {  	_ =	sdelay $0x2  }
0x181: {  	p5 =	sne.s32 s23, $0x1  }
.Ltmp23:
0x182: {  	s22 =	sadd.s32 $0xFFFFFFF0, s22;
	s25 =	sadd.s32 $0x40, s19;
	vm1 =	vle.s32 v3, v2;
	v3 =	vxor.u32 $0x80000000, v4;
	v4, _, _ =	vpop (xrf0);
	(pc) =	sbr.rel @!p5 .LBB2_29-.Ltmp23, $4  }
0x183: {  	s24 =	sand.u32 $0x70, s24;
	v5 =	vmov s22;
	s25 =	sand.u32 $0xFFFFFF80, s25;
	(v2sf) =	vpush v4, $0xF  }
0x184: {  	vm0 =	vgt.s32 v5, v1;
	s24 =	sor.u32 s24, s25  }
0x185: {  	vm0 =	vmand vm0, vm1;
	(xrf0) =	vmax.scan.msk.u32 $0xffff, v3;
	v3 =	vld [tilespmem:s24+$0x10100]  }
0x186: {  	s23 =	sadd.s32 $0xFFFFFFFF, s23;
	p3 =	por $0x1, $0x1;
	s24 =	simm.s32 $0x50;
	v4 =	vmpcnt.ones.xlane vm0  }
0x187: {  	_ =	sdelay $0x2  }
0x188: {  	p5 =	sne.s32 s23, $0x1  }
.Ltmp24:
0x189: {  	s22 =	sadd.s32 $0xFFFFFFF0, s22;
	s25 =	sadd.s32 $0x50, s19;
	vm1 =	vle.s32 v3, v2;
	v3 =	vxor.u32 $0x80000000, v4;
	v4, _, _ =	vpop (xrf0);
	(pc) =	sbr.rel @!p5 .LBB2_31-.Ltmp24, $4  }
0x18a: {  	s24 =	sand.u32 $0x70, s24;
	v5 =	vmov s22;
	s25 =	sand.u32 $0xFFFFFF80, s25;
	(v2sf) =	vpush v4, $0xF  }
0x18b: {  	vm0 =	vgt.s32 v5, v1;
	s25 =	sor.u32 s24, s25;
	(xrf0) =	vmax.scan.msk.u32 $0xffff, v3  }
0x18c: {  	p4 =	por $0x1, $0x1;
	vm0 =	vmand vm0, vm1;
	v3 =	vld [tilespmem:s25+$0x10100]  }
0x18d: {  	s24 =	sadd.s32 $0xFFFFFFFF, s23;
	s23 =	smov.u32 s18;
	s25 =	simm.s32 $0x60;
	v4 =	vmpcnt.ones.xlane vm0  }
.LBB2_32:
0x18e: {  	s26 =	sadd.s32 s25, s19  }
0x18f: {  	s22 =	sadd.s32 $0xFFFFFFF0, s22;
	s28 =	spop (v2sf);
	p5 =	sne.s32 s24, $0x1  }
.Ltmp25:
0x190: {  	s24 =	sadd.s32 $0xFFFFFFFF, s24;
	v6 =	vxor.u32 $0x80000000, v4;
	s23 =	sadd.s32 s28, s23;
	(pc) =	sbr.rel @p5 .LBB2_32-.Ltmp25, $4  }
0x191: {  	s26 =	sand.u32 $0xFFFFFF80, s26;
	s28 =	sand.u32 $0x70, s25;
	v5 =	vmov s22;
	(xrf0) =	vmax.scan.msk.u32 $0xffff, v6;
	v4, _, _ =	vpop (xrf0);
	s23 =	sadd.s32 $0x80000000, s23  }
0x192: {  	vm1 =	vle.s32 v3, v2;
	s26 =	sor.u32 s28, s26;
	vm0 =	vgt.s32 v5, v1;
	(v2sf) =	vpush v4, $0xF  }
0x193: {  	vm0 =	vmand vm0, vm1;
	v3 =	vld [tilespmem:s26+$0x10100]  }
0x194: {  	s25 =	sadd.s32 $0x10, s25;
	v4 =	vmpcnt.ones.xlane vm0  }
.Ltmp26:
0x195: {  	_ = 	snop;
	(pc) =	sbr.rel .LBB2_33-.Ltmp26, $1  }
0x196: {  	_ =	sdelay $0x3  }
.LBB2_23:
.Ltmp27:
0x197: {  	(pc) =	sbr.rel .LBB2_33-.Ltmp27, $2  }
0x198: {  	_ =	sdelay $0x2  }
0x199: {  	s22 =	smov.u32 s21;
	s23 =	smov.u32 s18  }
.LBB2_25:
.Ltmp28:
0x19a: {  	(pc) =	sbr.rel .LBB2_33-.Ltmp28, $2  }
0x19b: {  	_ =	sdelay $0x2  }
0x19c: {  	s23 =	smov.u32 s18  }
.LBB2_27:
.Ltmp29:
0x19d: {  	(pc) =	sbr.rel .LBB2_33-.Ltmp29, $2  }
0x19e: {  	_ =	sdelay $0x2  }
0x19f: {  	s23 =	smov.u32 s18  }
.LBB2_29:
.Ltmp30:
0x1a0: {  	(pc) =	sbr.rel .LBB2_33-.Ltmp30, $2  }
0x1a1: {  	_ =	sdelay $0x3  }
0x1a2: {  	s23 =	smov.u32 s18  }
.LBB2_31:
.Ltmp31:
0x1a3: {  	(pc) =	sbr.rel .LBB2_33-.Ltmp31, $2  }
0x1a4: {  	_ =	sdelay $0x2  }
0x1a5: {  	s23 =	smov.u32 s18  }
.LBB2_37:
0x1a6: {  	p0 =	sne.s32 s3, $0x0  }
.Ltmp32:
0x1a7: {  	_ = 	snop;
	(pc) =	sbr.rel @p0 .LBB2_45-.Ltmp32, $1  }
0x1a8: {  	_ =	sdelay $0x3  }
0x1a9: {  	s13 =	simm.s32 $0x0;
	s16 =	simm.s32 $0x400000  }
0x1aa: {  	s18 =	simm.s32 $0x3;
	s17 =	simm.s32 $0x0;
	s19 =	simm.s32 $0x0  }
.LBB2_39:
0x1ab: {  	s20 =	sshrl.u32 s16, s19  }
0x1ac: {  	s20 =	sadd.s32 s20, s17  }
0x1ad: {  	s21 =	sadd.s32 $0xFFFFFFFF, s20  }
0x1ae: {  	s22 =	simm.s32 $0x0;
	v1 =	vmov s21;
	s21 =	simm.s32 $0x0  }
.LBB2_40:
0x1af: {  	s23 =	sshll.u32 s21, $0xA  }
0x1b0: {  	s23 =	sadd.s32 s4, s23  }
0x1b1: {  	[tilespmem:s13], [sflag:$0x3] =	stream.linear.gather [hbm4b:s23+s13], $0x2000, $0x38;
	[tilespmem:$0x14B48] =	vst v63  }
0x1b2: {  	_ =	swait.ge [sflag:s18], $0x2000  }
0x1b3: {  	[sflag:s18] =	ssyncset.done $0x0  }
0x1b4: {  	s28 =	simm.s32 $0x0;
	[sflag:s18] =	ssyncadd.s32 $0xFFFFE000  }
0x1b5: {  	v2 =	vld [tilespmem:s28+$0x0]  }
0x1b6: {  	s29 =	simm.s32 $0x10  }
0x1b7: {  	v3 =	vld [tilespmem:s29+$0x0];
	_ =	sdelay $0x2  }
0x1b8: {  	vm0 =	vgt.s32 v2, $0xFFFFFFFF;
	vm1 =	vle.s32 v2, v1  }
0x1b9: {  	vm0 =	vmand vm0, vm1  }
0x1ba: {  	vm10 =	vgt.s32 v3, $0xFFFFFFFF;
	vm11 =	vle.s32 v3, v1;
	v2 =	vmpcnt.ones.xlane vm0  }
0x1bb: {  	vm0 =	vmand vm10, vm11  }
0x1bc: {  	s30 =	simm.s32 $0x20;
	v3 =	vmpcnt.ones.xlane vm0;
	v2 =	vxor.u32 $0x80000000, v2  }
0x1bd: {  	v4 =	vld [tilespmem:s30+$0x0];
	(xrf0) =	vmax.scan.msk.u32 $0xffff, v2  }
0x1be: {  	v2 =	vxor.u32 $0x80000000, v3  }
0x1bf: {  	(xrf0) =	vmax.scan.msk.u32 $0xffff, v2;
	_ =	sdelay $0x1  }
0x1c0: {  	s31 =	simm.s32 $0x30  }
0x1c1: {  	vm12 =	vgt.s32 v4, $0xFFFFFFFF;
	vm2 =	vle.s32 v4, v1;
	v4 =	vld [tilespmem:s31+$0x0]  }
0x1c2: {  	v3, _, _ =	vpop (xrf0)  }
0x1c3: {  	(v2sf) =	vpush v3, $0xF  }
0x1c4: {  	vm13 =	vmand vm12, vm2;
	v3, _, _ =	vpop (xrf0)  }
0x1c5: {  	v5 =	vmpcnt.ones.xlane vm13;
	(v2sf) =	vpush v3, $0xF  }
0x1c6: {  	vm14 =	vgt.s32 v4, $0xFFFFFFFF;
	vm15 =	vle.s32 v4, v1  }
0x1c7: {  	v2 =	vxor.u32 $0x80000000, v5;
	vm0 =	vmand vm14, vm15  }
0x1c8: {  	(xrf0) =	vmax.scan.msk.u32 $0xffff, v2;
	v2 =	vmpcnt.ones.xlane vm0  }
0x1c9: {  	s24 =	simm.s32 $0x40  }
0x1ca: {  	v4 =	vxor.u32 $0x80000000, v2;
	v2 =	vld [tilespmem:s24+$0x0];
	_ =	sdelay $0x3  }
0x1cb: {  	s23 =	simm.s32 $0x140;
	(xrf0) =	vmax.scan.msk.u32 $0xffff, v4;
	v3, _, _ =	vpop (xrf0)  }
.LBB2_41:
0x1cc: {  	s24 =	sshra.s32 s23, $0x2;
	p0 =	sne.s32 s23, $0x7FC0;
	s23 =	sadd.s32 $0x40, s23;
	vm0 =	vgt.s32 v2, $0xFFFFFFFF;
	vm1 =	vle.s32 v2, v1;
	(v2sf) =	vpush v3, $0xF  }
.Ltmp33:
0x1cd: {  	v2 =	vld [tilespmem:s24+$0x0];
	vm0 =	vmand vm0, vm1;
	(pc) =	sbr.rel @p0 .LBB2_41-.Ltmp33, $4  }
0x1ce: {  	v5 =	vmpcnt.ones.xlane vm0  }
0x1cf: {  	s24 =	spop (v2sf)  }
0x1d0: {  	v4 =	vxor.u32 $0x80000000, v5;
	s22 =	sadd.s32 s24, s22  }
0x1d1: {  	(xrf0) =	vmax.scan.msk.u32 $0xffff, v4;
	v3, _, _ =	vpop (xrf0);
	s22 =	sadd.s32 $0x80000000, s22  }
0x1d2: {  	vm0 =	vgt.s32 v2, $0xFFFFFFFF;
	vm1 =	vle.s32 v2, v1  }
0x1d3: {  	vm0 =	vmand vm0, vm1  }
0x1d4: {  	v2 =	vmpcnt.ones.xlane vm0;
	_ =	sdelay $0x1  }
0x1d5: {  	v2 =	vxor.u32 $0x80000000, v2  }
0x1d6: {  	(xrf0) =	vmax.scan.msk.u32 $0xffff, v2;
	_ =	sdelay $0x2  }
0x1d7: {  	(v2sf) =	vpush v3, $0xF  }
0x1d8: {  	v2, _, _ =	vpop (xrf0)  }
0x1d9: {  	(v2sf) =	vpush v2, $0xF  }
0x1da: {  	v2, _, _ =	vpop (xrf0)  }
0x1db: {  	(v2sf) =	vpush v2, $0xF;
	_ =	sdelay $0x6  }
0x1dc: {  	s23 =	spop (v2sf)  }
0x1dd: {  	s22 =	sadd.s32 s23, s22  }
0x1de: {  	s22 =	sadd.s32 $0x80000000, s22;
	s28 =	spop (v2sf)  }
0x1df: {  	s22 =	sadd.s32 s28, s22  }
0x1e0: {  	s21 =	sadd.s32 $0x1, s21;
	s22 =	sadd.s32 $0x80000000, s22;
	s29 =	spop (v2sf)  }
0x1e1: {  	p0 =	sne.s32 s21, $0x100;
	s22 =	sadd.s32 s29, s22  }
.Ltmp34:
0x1e2: {  	s22 =	sadd.s32 $0x80000000, s22;
	s30 =	spop (v2sf);
	(pc) =	sbr.rel @p0 .LBB2_40-.Ltmp34, $4  }
0x1e3: {  	s22 =	sadd.s32 s30, s22  }
0x1e4: {  	s22 =	sadd.s32 $0x80000000, s22;
	s31 =	spop (v2sf)  }
0x1e5: {  	s22 =	sadd.s32 s31, s22  }
0x1e6: {  	s22 =	sadd.s32 $0x80000000, s22  }
0x1e7: {  	s19 =	sadd.s32 $0x1, s19  }
0x1e8: {  	p1 =	sne.s32 s19, $0x17  }
.Ltmp35:
0x1e9: {  	_ = 	snop;
	(pc) =	sbr.rel @p1 .LBB2_39-.Ltmp35, $3  }
0x1ea: {  	_ =	sdelay $0x1  }
0x1eb: {  	p0 =	slt.s32 s22, s15  }
0x1ec: {  	s17 =	smov.u32 @p0 s20  }
0x1ed: {  	v1 =	vmov s17  }
0x1ee: {  	s13 =	simm.s32 $0x14180;
	s31 =	simm.s32 $0x3;
	[tilespmem:$0x14180] =	vst v1  }
0x1ef: {  	[spmem:s8] =	stream.linear.scatter [tilespmem:s13], [sflag:$0x3], $0x80, $0x38;
	[tilespmem:$0x14B48] =	vst v63  }
0x1f0: {  	_ =	swait.ge [sflag:s31], $0x80  }
0x1f1: {  	[sflag:s31] =	ssyncset.done $0x0  }
0x1f2: {  	[sflag:s31] =	ssyncadd.s32 $0xFFFFFF80  }
.LBB2_45:
0x1f3: {  	[bflag:$0x0] =	sbarrier.arrive $0xFFFF  }
.Ltmp36:
0x1f4: {  	s13 =	simm.s32 $0x14300;
	s31 =	simm.s32 $0x3;
	(pc) =	sbr.rel .LBB2_46-.Ltmp36, $4  }
0x1f5: {  	[tilespmem:s13], [sflag:$0x3] =	stream.linear.gather [spmem:s8], $0x80, $0x38;
	[tilespmem:$0x14B48] =	vst v63  }
0x1f6: {  	_ =	swait.ge [sflag:s31], $0x80  }
0x1f7: {  	[sflag:s31] =	ssyncset.done $0x0  }
0x1f8: {  	[sflag:s31] =	ssyncadd.s32 $0xFFFFFF80  }
.LBB2_36:
0x1f9: {  	v1 =	vmov s8  }
0x1fa: {  	[tilespmem:$0x14300] =	vst v1  }
0x1fb: {  	[bflag:$0x0] =	sbarrier.arrive $0xFFFF  }
.LBB2_46:
0x1fc: {  	v1 =	vld [tilespmem:$0x14300];
	_ =	sdelay $0x4  }
0x1fd: {  	v1 =	vxor.u32 $0x80000000, v1  }
0x1fe: {  	(xrf0) =	vmax.scan.msk.u32 $0xffff, v1;
	_ =	sdelay $0x5  }
0x1ff: {  	v1, _, _ =	vpop (xrf0)  }
0x200: {  	(v2sf) =	vpush v1, $0xF;
	_ =	sdelay $0xc  }
0x201: {  	p1 =	sgt.s32 s7, $0x4000  }
.Ltmp37:
0x202: {  	_ = 	snop;
	(pc) =	sbr.rel @p1 .LBB2_47-.Ltmp37, $4  }
0x203: {  	s8 =	spop (v2sf)  }
0x204: {  	p0 =	sge.f32 s9, $1.000000000e+05;
	s8 =	sxor.u32 $0x80000000, s8  }
0x205: {  	v1 =	vmov s8  }
0x206: {  	s8 =	sadd.s32 s14, s2;
	v1 =	vpsel p0, $0xFFFFFFFF, v1  }
0x207: {  	p0 =	slt.s32 s7, $0x4000;
	s4 =	smov.u32 s7  }
0x208: {  	s4 =	simm.s32 @!p0 $0x4000  }
0x209: {  	s4 =	sadd.s32 $0xF, s4  }
0x20a: {  	s5 =	sshra.s32 s4, $0x4  }
0x20b: {  	p0 =	slt.s32 s5, $0x1  }
.Ltmp38:
0x20c: {  	_ = 	snop;
	(pc) =	sbr.rel @p0 .LBB2_52-.Ltmp38, $2  }
0x20d: {  	_ =	sdelay $0x2  }
0x20e: {  	v2 =	vimm.f32 $0.0e+00  }
0x20f: {  	s4 =	simm.s32 $0x8000  }
0x210: {  	p0 =	seq.s32 s5, $0x1;
	v6 =	vld [tilespmem:s4+$0x0]  }
.Ltmp39:
0x211: {  	s4 =	simm.s32 $0xC080;
	(pc) =	sbr.rel @p0 .LBB2_55-.Ltmp39, $3  }
0x212: {  	v5 =	vld [tilespmem:s4+$0x0];
	_ =	sdelay $0x1  }
0x213: {  	v4 =	vlaneseq.u32;
	v3 =	vimm.f32 $0.0e+00  }
0x214: {  	s5 =	sadd.s32 $0xFFFFFFFF, s5;
	s6 =	simm.s32 $0x8010;
	vm0 =	vgt.s32 v0, v4;
	v0 =	vimm.f32 $0.0e+00;
	vm1 =	vle.s32 v6, v1  }
.LBB2_54:
0x215: {  	v6 =	vld [tilespmem:s6+$0x0];
	p0 =	seq.s32 s5, $0x1;
	s5 =	sadd.s32 $0xFFFFFFFF, s5;
	vm0 =	vmand vm0, vm1  }
.Ltmp40:
0x216: {  	s4 =	sadd.s32 $0x10, s4;
	v7 =	vsel vm0, $0x3F800000, v3;
	v8 =	vnsel vm0, $0x0, v5;
	(pc) =	sbr.rel @!p0 .LBB2_54-.Ltmp40, $4  }
0x217: {  	v5 =	vld [tilespmem:s4+$0x0];
	v2 =	vadd.f32 v7, v2;
	v0 =	vadd.f32 v8, v0  }
0x218: {  	s7 =	sadd.s32 $0xFFFFFFF0, s7  }
0x219: {  	v7 =	vmov s7  }
0x21a: {  	s6 =	sadd.s32 $0x10, s6;
	vm0 =	vgt.s32 v7, v4;
	vm1 =	vle.s32 v6, v1  }
.LBB2_55:
.Ltmp41:
0x21b: {  	(pc) =	sbr.rel .LBB2_56-.Ltmp41, $4  }
0x21c: {  	_ = 	snop  }
0x21d: {  	vm0 =	vmand vm0, vm1  }
0x21e: {  	v1 =	vsel vm0, $0x3F800000, v3;
	v3 =	vnsel vm0, $0x0, v5  }
0x21f: {  	v2 =	vadd.f32 v1, v2;
	v0 =	vadd.f32 v3, v0  }
.LBB2_47:
0x220: {  	s7 =	simm.s32 $0x0  }
0x221: {  	v0 =	vimm.f32 $0.0e+00;
	s13 =	simm.s32 $0x3;
	s14 =	simm.s32 $0x2000;
	v3 =	vimm.f32 $0.0e+00;
	v2 =	vimm.f32 $0.0e+00;
	s15 =	simm.s32 $0x0  }
.LBB2_48:
0x222: {  	s16 =	sshll.u32 s15, $0xD  }
0x223: {  	s16 =	sadd.s32 s6, s16  }
0x224: {  	s16 =	sshrl.u32 s16, $0x3  }
0x225: {  	s17 =	sadd.s32 s4, s16  }
0x226: {  	[tilespmem:s7], [sflag:$0x3] =	stream.linear.gather [hbm4b:s17+s7], $0x2000, $0x38;
	[tilespmem:$0x14B48] =	vst v63  }
0x227: {  	_ =	swait.ge [sflag:s13], $0x2000  }
0x228: {  	[sflag:s13] =	ssyncset.done $0x0  }
0x229: {  	s16 =	sadd.s32 s5, s16;
	[sflag:s13] =	ssyncadd.s32 $0xFFFFE000  }
0x22a: {  	[tilespmem:s14], [sflag:$0x3] =	stream.linear.gather [hbm4b:s16+s7], $0x2000, $0x38;
	[tilespmem:$0x14B48] =	vst v63  }
0x22b: {  	_ =	swait.ge [sflag:s13], $0x2000  }
0x22c: {  	[sflag:s13] =	ssyncset.done $0x0  }
0x22d: {  	s31 =	simm.s32 $0x0;
	[sflag:s13] =	ssyncadd.s32 $0xFFFFE000  }
0x22e: {  	v5 =	vld [tilespmem:s31+$0x0]  }
0x22f: {  	s16 =	simm.s32 $0x40;
	v4 =	vld [tilespmem:s31+$0x2000]  }
.LBB2_49:
0x230: {  	_ = 	snop  }
0x231: {  	p0 =	sne.s32 s16, $0x7FC0  }
.Ltmp42:
0x232: {  	_ = 	snop;
	(pc) =	sbr.rel @p0 .LBB2_49-.Ltmp42, $4  }
0x233: {  	vm0 =	vgt.s32 v5, $0xFFFFFFFF;
	vm1 =	vle.s32 v5, v1  }
0x234: {  	s17 =	sshra.s32 s16, $0x2;
	vm0 =	vmand vm0, vm1  }
0x235: {  	v5 =	vld [tilespmem:s17+$0x0];
	v6 =	vsel vm0, $0x3F800000, v3;
	v7 =	vnsel vm0, $0x0, v4  }
0x236: {  	s16 =	sadd.s32 $0x40, s16;
	v4 =	vld [tilespmem:s17+$0x2000];
	v2 =	vadd.f32 v6, v2;
	v0 =	vadd.f32 v7, v0  }
0x237: {  	s15 =	sadd.s32 $0x1, s15  }
0x238: {  	p0 =	sne.s32 s15, $0x10  }
.Ltmp43:
0x239: {  	_ = 	snop;
	(pc) =	sbr.rel @p0 .LBB2_48-.Ltmp43, $4  }
.Ltmp44:
0x23a: {  	vm0 =	vgt.s32 v5, $0xFFFFFFFF;
	vm1 =	vle.s32 v5, v1;
	(pc) =	sbr.rel @!p0 .LBB2_56-.Ltmp44, $4  }
0x23b: {  	vm0 =	vmand vm0, vm1  }
0x23c: {  	v5 =	vsel vm0, $0x3F800000, v3;
	v4 =	vnsel vm0, $0x0, v4  }
0x23d: {  	v2 =	vadd.f32 v5, v2;
	v0 =	vadd.f32 v4, v0  }
0x23e: {  	_ = 	snop  }
.LBB2_52:
0x23f: {  	v0 =	vimm.f32 $0.0e+00  }
.LBB2_56:
0x240: {  	_ = 	snop  }
0x241: {  	[tilespmem:$0x14380] =	vst v2  }
0x242: {  	s4 =	simm.s32 $0x14380;
	[tilespmem:$0x14390] =	vst v0  }
0x243: {  	[spmem:s8] =	stream.linear.scatter [tilespmem:s4], [sflag:$0x3], $0x30, $0x38;
	[tilespmem:$0x14B48] =	vst v63  }
0x244: {  	s4 =	simm.s32 $0x3  }
0x245: {  	_ =	swait.ge [sflag:s4], $0x30  }
0x246: {  	[sflag:s4] =	ssyncset.done $0x0  }
0x247: {  	[sflag:s4] =	ssyncadd.s32 $0xFFFFFFD0  }
0x248: {  	p0 =	sne.s32 s3, $0x0;
	[bflag:$0x0] =	sbarrier.arrive $0xFFFF  }
0x249: {  	_ =	sfence.sel @p0 $0x180000  }
0x24a: {  	[bflag:$0x0] =	sbarrier.arrive @p0 $0xFFFF  }
0x24b: {  	_ =	strace @p0 $0x90000047  }
0x24c: {  	[bflag:$0x2] =	sbarrier.arrive @p0 $0xFFFF  }
0x24d: {  	_ =	shalt @p0  }
.LBB2_57:
0x24e: {  	s3 =	simm.s32 $0x14400  }
0x24f: {  	[tilespmem:s3], [sflag:$0x3] =	stream.linear.gather [spmem:s2], $0x300, $0x38;
	[tilespmem:$0x14B48] =	vst v63  }
0x250: {  	_ =	swait.ge [sflag:s4], $0x300  }
0x251: {  	[sflag:s4] =	ssyncset.done $0x0  }
0x252: {  	[sflag:s4] =	ssyncadd.s32 $0xFFFFFD00  }
0x253: {  	v0 =	vld [tilespmem:$0x14410]  }
0x254: {  	v1 =	vld [tilespmem:$0x14400]  }
0x255: {  	v2 =	vld [tilespmem:$0x14440]  }
0x256: {  	v3 =	vld [tilespmem:$0x14430]  }
0x257: {  	v4 =	vld [tilespmem:$0x14470]  }
0x258: {  	v5 =	vld [tilespmem:$0x14460];
	v0 =	vadd.f32 $0.0e+00, v0  }
0x259: {  	v6 =	vld [tilespmem:$0x144A0];
	v1 =	vadd.f32 $0.0e+00, v1  }
0x25a: {  	v36 =	vld [tilespmem:$0x14490];
	v0 =	vadd.f32 v2, v0  }
0x25b: {  	v37 =	vld [tilespmem:$0x144D0];
	v1 =	vadd.f32 v3, v1  }
0x25c: {  	v38 =	vld [tilespmem:$0x144C0];
	v0 =	vadd.f32 v4, v0  }
0x25d: {  	v39 =	vld [tilespmem:$0x14500];
	v1 =	vadd.f32 v5, v1  }
0x25e: {  	v40 =	vld [tilespmem:$0x144F0];
	v0 =	vadd.f32 v6, v0  }
0x25f: {  	v41 =	vld [tilespmem:$0x14530];
	v1 =	vadd.f32 v36, v1  }
0x260: {  	v42 =	vld [tilespmem:$0x14520];
	v0 =	vadd.f32 v37, v0  }
0x261: {  	v43 =	vld [tilespmem:$0x14560];
	v1 =	vadd.f32 v38, v1  }
0x262: {  	v44 =	vld [tilespmem:$0x14550];
	v0 =	vadd.f32 v39, v0  }
0x263: {  	v45 =	vld [tilespmem:$0x14590];
	v1 =	vadd.f32 v40, v1  }
0x264: {  	v46 =	vld [tilespmem:$0x14580];
	v0 =	vadd.f32 v41, v0  }
0x265: {  	v47 =	vld [tilespmem:$0x145C0];
	v1 =	vadd.f32 v42, v1  }
0x266: {  	v48 =	vld [tilespmem:$0x145B0];
	v0 =	vadd.f32 v43, v0  }
0x267: {  	v49 =	vld [tilespmem:$0x145F0];
	v1 =	vadd.f32 v44, v1  }
0x268: {  	v50 =	vld [tilespmem:$0x145E0];
	v0 =	vadd.f32 v45, v0  }
0x269: {  	v51 =	vld [tilespmem:$0x14620];
	v1 =	vadd.f32 v46, v1  }
0x26a: {  	v52 =	vld [tilespmem:$0x14610];
	v0 =	vadd.f32 v47, v0  }
0x26b: {  	v53 =	vld [tilespmem:$0x14650];
	v1 =	vadd.f32 v48, v1  }
0x26c: {  	v54 =	vld [tilespmem:$0x14640];
	v0 =	vadd.f32 v49, v0  }
0x26d: {  	v55 =	vld [tilespmem:$0x14680];
	v1 =	vadd.f32 v50, v1  }
0x26e: {  	v56 =	vld [tilespmem:$0x14670];
	v0 =	vadd.f32 v51, v0  }
0x26f: {  	v57 =	vld [tilespmem:$0x146B0];
	v1 =	vadd.f32 v52, v1  }
0x270: {  	v58 =	vld [tilespmem:$0x146A0];
	v0 =	vadd.f32 v53, v0  }
0x271: {  	v59 =	vld [tilespmem:$0x146E0];
	v1 =	vadd.f32 v54, v1  }
0x272: {  	v60 =	vld [tilespmem:$0x146D0];
	v0 =	vadd.f32 v55, v0  }
0x273: {  	v1 =	vadd.f32 v56, v1  }
0x274: {  	v0 =	vadd.f32 v57, v0  }
0x275: {  	v1 =	vadd.f32 v58, v1  }
0x276: {  	v0 =	vadd.f32 v59, v0  }
0x277: {  	v1 =	vadd.f32 v60, v1  }
0x278: {  	(xrf2) =	vadd.scan.msk.f32 $0xffff, v0  }
0x279: {  	(xrf2) =	vadd.scan.msk.f32 $0xffff, v1;
	_ =	sdelay $0x8  }
0x27a: {  	v0, _, _ =	vpop (xrf2)  }
0x27b: {  	(v2sf) =	vpush v0, $0xF;
	v61, _, _ =	vpop (xrf2)  }
0x27c: {  	(v2sf) =	vpush v61, $0xF;
	_ =	sdelay $0xd  }
0x27d: {  	s26 =	spop (v2sf)  }
0x27e: {  	s28 =	spop (v2sf)  }
0x27f: {  	s3 =	sadd.f32 s28, s9;
	_ =	sdelay $0x1  }
0x280: {  	v62 =	vmov s3  }
0x281: {  	v0 =	vmax.f32 v62, $1.000000000e+00  }
0x282: {  	v0 =	vbroadcast v0, $0x0;
	_ =	sdelay $0x1  }
0x283: {  	(erf) = vrcp.f32 v0;
	_ =	sdelay $0x7  }
0x284: {  	s2 =	sadd.f32 s26, s10  }
0x285: {  	s29 =	smul.f32 $4.768371580e-07, s11;
	v0 =	vpop (erf)  }
0x286: {  	v0 =	vmul.f32 s2, v0  }
0x287: {  	p0 =	sgt.s32 s12, $0x0;
	v63 =	vmov s29  }
0x288: {  	v0 =	vpsel p0, v0, v63  }
0x289: {  	s30 =	simm.s32 $0x0;
	s31 =	simm.s32 $0x14100;
	[tilespmem:$0x14100] =	vst v0  }
0x28a: {  	[hbm4b:s1+s30] =	stream.linear.scatter [tilespmem:s31], [sflag:$0x3], $0x80, $0x38;
	[tilespmem:$0x14B48] =	vst v63  }
0x28b: {  	_ =	swait.ge [sflag:s4], $0x80  }
0x28c: {  	[sflag:s4] =	ssyncset.done $0x0  }
0x28d: {  	[sflag:s4] =	ssyncadd.s32 $0xFFFFFF80  }
0x28e: {  	_ =	sfence.sel $0x180000  }
0x28f: {  	[bflag:$0x0] =	sbarrier.arrive $0xFFFF  }
0x290: {  	_ =	strace $0x90000047  }
0x291: {  	s0 =	sadd.s32 $0x100000, s0;
	[bflag:$0x2] =	sbarrier.arrive $0xFFFF  }
0x292: {  	[sflag:s0] =	ssyncadd.tile.s32 $0x1;
	_ =	shalt  }
.Lfunc_end2:
_tile_overlayer_lowered:
.L_overlay_start_2:
0x293: {  	(tag) =	ssettag $0x2  }
0x294: {  	s0 =	rddreg [dreg:$0x0];
	s2 =	stileid.u32  }
0x295: {  	s1 =	rddreg [dreg:$0x1];
	p0 =	sne.s32 s2, $0x0  }
0x296: {  	s3 =	rddreg [dreg:$0x2];
	[bflag:$0x3] =	sbarrier.arrive $0xFFFF;
	s2 =	simm.s32 @!p0 $0x1C03  }
0x297: {  	[timem:s3], [sflag:s2] =	dma.local @!p0 [hbm:s0], s1  }
0x298: {  	s0 =	simm.s32 @!p0 $0x3  }
0x299: {  	_ =	swait.ge @!p0 [sflag:s0], s1  }
0x29a: {  	s1 =	ssub.s32 @!p0 $0x0, s1;
	[sflag:s0] =	ssyncset.done @!p0 $0x0  }
0x29b: {  	[sflag:s0] =	ssyncadd.s32 @!p0 s1  }
0x29c: {  	[bflag:$0x3] =	sbarrier.arrive $0xFFFF  }
0x29d: {  	_ =	shalt  }

</sc_bundles>
